<compile_context>
chip_gen: v7x
topology: tpu7x:2x2x1
jax: 0.10.2.dev20260603
libtpu: 0.0.44.dev20260713+nightly
codegen_flags: <defaults>
</compile_context>

<pallas_src>
import jax
import jax.numpy as jnp
from jax import lax
from jax.experimental import pallas as pl
from jax.experimental.pallas import tpu as pltpu
from jax.experimental.pallas import tpu_sc as plsc

MAXLEN = 8192
OUTPUT_DIM = 2048

_NC = 2
_ROWS_PER_SC = MAXLEN // _NC
_NISS = 8
_ROWS_PER_ISS = _ROWS_PER_SC // _NISS
_CHUNK = 32
_NCHUNKS = _ROWS_PER_ISS // _CHUNK
_NBUF = 2


def _sc_copy(table_hbm, out_hbm, spbuf, in_s0, in_s1, out_s0, out_s1):
    cid = lax.axis_index("c")
    sid = lax.axis_index("s")
    base = cid * _ROWS_PER_SC + sid * _ROWS_PER_ISS
    in_sems = (in_s0, in_s1)
    out_sems = (out_s0, out_s1)

    def cin(i):
        return pltpu.make_async_copy(
            table_hbm.at[pl.ds(base + i * _CHUNK, _CHUNK)],
            spbuf.at[sid, i % _NBUF], in_sems[i % _NBUF])

    def cout(i):
        return pltpu.make_async_copy(
            spbuf.at[sid, i % _NBUF],
            out_hbm.at[pl.ds(base + i * _CHUNK, _CHUNK)],
            out_sems[i % _NBUF])

    @pl.when(sid < _NISS)
    def _():
        cin(0).start()
        for i in range(_NCHUNKS):
            if i + 1 < _NCHUNKS:
                if i >= 1:
                    cout(i - 1).wait()
                cin(i + 1).start()
            cin(i).wait()
            cout(i).start()
        cout(_NCHUNKS - 2).wait()
        cout(_NCHUNKS - 1).wait()


def kernel(inputs, table):
    del inputs
    mesh = plsc.VectorSubcoreMesh(core_axis_name="c", subcore_axis_name="s")
    out = pl.kernel(
        _sc_copy,
        mesh=mesh,
        out_type=jax.ShapeDtypeStruct((MAXLEN, OUTPUT_DIM), table.dtype),
        scratch_types=[
            pltpu.MemorySpace.VMEM_SHARED((_NISS, _NBUF, _CHUNK, OUTPUT_DIM),
                                          jnp.float32),
            pltpu.SemaphoreType.DMA,
            pltpu.SemaphoreType.DMA,
            pltpu.SemaphoreType.DMA,
            pltpu.SemaphoreType.DMA,
        ],
    )(table)
    return out[None]

# --- scband reference (transcript-rebuilt; emitter-appended) ---
"""Pipeline reference for scband-position-embedding-2559800508485 (READ-ONLY COPY).

The authoritative reference and input builder live on the scoring server;
editing this copy changes nothing except your own understanding.
"""

import jax, jax.numpy as jnp
import numpy as np

MAXLEN = 8192
OUTPUT_DIM = 2048

def setup_inputs(seed: int = 0) -> dict:
    key = jax.random.key(seed)
    k1, k2 = jax.random.split(key)
    inputs = jax.random.randint(k1, (4, MAXLEN), 0, MAXLEN, dtype=jnp.int64 if jax.config.jax_enable_x64 else jnp.int32).astype(jnp.int32)
    # learned position embedding table (Keras Embedding default: uniform init)
    table = jax.random.uniform(k2, (MAXLEN, OUTPUT_DIM), dtype=jnp.float32, minval=-0.05, maxval=0.05)
    return {"inputs": inputs, "table": table}

def reference(inputs, table):
    # Faithful translation of PositionEmbedding.call:
    # positions = tf.range(0, maxlen); positions = expand_dims(positions, 0)
    # return embedding(positions)  -> shape [1, maxlen, output_dim]
    positions = jnp.arange(0, MAXLEN, 1)
    positions = jnp.expand_dims(positions, axis=0)  # [1, maxlen]
    out = jnp.take(table, positions, axis=0)  # [1, maxlen, output_dim]
    return out

if __name__ == "__main__":
    import jax
    _d = setup_inputs()
    print(jax.jit(kernel)(*tuple(_d.values())))

</pallas_src>

<mosaic_0001>
#map = affine_map<(d0, d1) -> (0, 0)>
module attributes {stable_mosaic.version = 14 : i64} {
  func.func @_sc_copy(%arg0: i32, %arg1: i32, %arg2: memref<8192x2048xf32, #tpu.memory_space<hbm>>, %arg3: memref<8192x2048xf32, #tpu.memory_space<hbm>>, %arg4: memref<8x2x32x2048xf32, #tpu.memory_space<vmem_shared>>, %arg5: memref<!tpu.dma_semaphore, #tpu.memory_space<semaphore_mem>>, %arg6: memref<!tpu.dma_semaphore, #tpu.memory_space<semaphore_mem>>, %arg7: memref<!tpu.dma_semaphore, #tpu.memory_space<semaphore_mem>>, %arg8: memref<!tpu.dma_semaphore, #tpu.memory_space<semaphore_mem>>) attributes {dimension_semantics = [#tpu.dimension_semantics<core_parallel>, #tpu.dimension_semantics<subcore_parallel>], iteration_bounds = array<i64: 2, 16>, scalar_prefetch = 0 : i64, scratch_operands = 5 : i64, tpu.core_type = #tpu.core_type<sc_vector_subcore>, window_params = [{transform_indices = #map}, {transform_indices = #map}]} {
    %mul3A = arith.constant 4096 : i32
    %mul3A_0 = arith.muli %arg0, %mul3A : i32
    %mul3A_1 = arith.constant 512 : i32
    %mul3A_2 = arith.muli %arg1, %mul3A_1 : i32
    %add3A = arith.addi %mul3A_0, %mul3A_2 : i32
    %lt3A = arith.constant 8 : i32
    %lt3A_3 = arith.cmpi slt, %arg1, %lt3A : i32
    %convert_element_type3A = arith.extui %lt3A_3 : i1 to i32
    %cond3A = arith.constant 0 : i32
    %cond3A_4 = arith.cmpi ne, %convert_element_type3A, %cond3A : i32
    scf.if %cond3A_4 {
      %add3A_5 = arith.constant 0 : i32
      %add3A_6 = arith.addi %add3A, %add3A_5 : i32
      %dma_start3A = arith.constant 0 : i32
      %dma_start3A_7 = arith.constant 0 : i32
      %dma_start3A_8 = arith.constant 0 : i32
      %dma_start3A_9 = tpu.memref_slice %arg4[%arg1, %dma_start3A, %dma_start3A_7, %dma_start3A_8] : memref<8x2x32x2048xf32, #tpu.memory_space<vmem_shared>> -> memref<1x1x32x2048xf32, #tpu.memory_space<vmem_shared>>
      %dma_start3A_10 = tpu.memref_squeeze %dma_start3A_9 : memref<1x1x32x2048xf32, #tpu.memory_space<vmem_shared>> -> memref<32x2048xf32, #tpu.memory_space<vmem_shared>>
      %dma_start3A_11 = arith.constant 0 : i32
      %dma_start3A_12 = tpu.memref_slice %arg2[%add3A_6, %dma_start3A_11] : memref<8192x2048xf32, #tpu.memory_space<hbm>> -> memref<32x2048xf32, #tpu.memory_space<hbm>>
      tpu.enqueue_dma source(%dma_start3A_12 : memref<32x2048xf32, #tpu.memory_space<hbm>>) target(%dma_start3A_10 : memref<32x2048xf32, #tpu.memory_space<vmem_shared>>) target_semaphore(%arg5 : memref<!tpu.dma_semaphore, #tpu.memory_space<semaphore_mem>>)
      %add3A_13 = arith.constant 32 : i32
      %add3A_14 = arith.addi %add3A, %add3A_13 : i32
      %dma_start3A_15 = arith.constant 1 : i32
      %dma_start3A_16 = arith.constant 0 : i32
      %dma_start3A_17 = arith.constant 0 : i32
      %dma_start3A_18 = tpu.memref_slice %arg4[%arg1, %dma_start3A_15, %dma_start3A_16, %dma_start3A_17] : memref<8x2x32x2048xf32, #tpu.memory_space<vmem_shared>> -> memref<1x1x32x2048xf32, #tpu.memory_space<vmem_shared>>
      %dma_start3A_19 = tpu.memref_squeeze %dma_start3A_18 : memref<1x1x32x2048xf32, #tpu.memory_space<vmem_shared>> -> memref<32x2048xf32, #tpu.memory_space<vmem_shared>>
      %dma_start3A_20 = arith.constant 0 : i32
      %dma_start3A_21 = tpu.memref_slice %arg2[%add3A_14, %dma_start3A_20] : memref<8192x2048xf32, #tpu.memory_space<hbm>> -> memref<32x2048xf32, #tpu.memory_space<hbm>>
      tpu.enqueue_dma source(%dma_start3A_21 : memref<32x2048xf32, #tpu.memory_space<hbm>>) target(%dma_start3A_19 : memref<32x2048xf32, #tpu.memory_space<vmem_shared>>) target_semaphore(%arg6 : memref<!tpu.dma_semaphore, #tpu.memory_space<semaphore_mem>>)
      %add3A_22 = arith.constant 0 : i32
      %add3A_23 = arith.addi %add3A, %add3A_22 : i32
      %dma_wait3A = arith.constant 0 : i32
      %dma_wait3A_24 = arith.constant 0 : i32
      %dma_wait3A_25 = arith.constant 0 : i32
      %dma_wait3A_26 = tpu.memref_slice %arg4[%arg1, %dma_wait3A, %dma_wait3A_24, %dma_wait3A_25] : memref<8x2x32x2048xf32, #tpu.memory_space<vmem_shared>> -> memref<1x1x32x2048xf32, #tpu.memory_space<vmem_shared>>
      %dma_wait3A_27 = tpu.memref_squeeze %dma_wait3A_26 : memref<1x1x32x2048xf32, #tpu.memory_space<vmem_shared>> -> memref<32x2048xf32, #tpu.memory_space<vmem_shared>>
      %dma_wait3A_28 = arith.constant 0 : i32
      %dma_wait3A_29 = tpu.memref_slice %arg2[%add3A_23, %dma_wait3A_28] : memref<8192x2048xf32, #tpu.memory_space<hbm>> -> memref<32x2048xf32, #tpu.memory_space<hbm>>
      tpu.wait_dma2 semaphore(%arg5 : memref<!tpu.dma_semaphore, #tpu.memory_space<semaphore_mem>>) src(%dma_wait3A_29 : memref<32x2048xf32, #tpu.memory_space<hbm>>) dst(%dma_wait3A_27 : memref<32x2048xf32, #tpu.memory_space<vmem_shared>>)
      %add3A_30 = arith.constant 0 : i32
      %add3A_31 = arith.addi %add3A, %add3A_30 : i32
      %dma_start3A_32 = arith.constant 0 : i32
      %dma_start3A_33 = arith.constant 0 : i32
      %dma_start3A_34 = tpu.memref_slice %arg3[%add3A_31, %dma_start3A_33] : memref<8192x2048xf32, #tpu.memory_space<hbm>> -> memref<32x2048xf32, #tpu.memory_space<hbm>>
      %dma_start3A_35 = arith.constant 0 : i32
      %dma_start3A_36 = arith.constant 0 : i32
      %dma_start3A_37 = tpu.memref_slice %arg4[%arg1, %dma_start3A_32, %dma_start3A_35, %dma_start3A_36] : memref<8x2x32x2048xf32, #tpu.memory_space<vmem_shared>> -> memref<1x1x32x2048xf32, #tpu.memory_space<vmem_shared>>
      %dma_start3A_38 = tpu.memref_squeeze %dma_start3A_37 : memref<1x1x32x2048xf32, #tpu.memory_space<vmem_shared>> -> memref<32x2048xf32, #tpu.memory_space<vmem_shared>>
      tpu.enqueue_dma source(%dma_start3A_38 : memref<32x2048xf32, #tpu.memory_space<vmem_shared>>) target(%dma_start3A_34 : memref<32x2048xf32, #tpu.memory_space<hbm>>) target_semaphore(%arg7 : memref<!tpu.dma_semaphore, #tpu.memory_space<semaphore_mem>>)
      %add3A_39 = arith.constant 0 : i32
      %add3A_40 = arith.addi %add3A, %add3A_39 : i32
      %dma_wait3A_41 = arith.constant 0 : i32
      %dma_wait3A_42 = arith.constant 0 : i32
      %dma_wait3A_43 = tpu.memref_slice %arg3[%add3A_40, %dma_wait3A_42] : memref<8192x2048xf32, #tpu.memory_space<hbm>> -> memref<32x2048xf32, #tpu.memory_space<hbm>>
      %dma_wait3A_44 = arith.constant 0 : i32
      %dma_wait3A_45 = arith.constant 0 : i32
      %dma_wait3A_46 = tpu.memref_slice %arg4[%arg1, %dma_wait3A_41, %dma_wait3A_44, %dma_wait3A_45] : memref<8x2x32x2048xf32, #tpu.memory_space<vmem_shared>> -> memref<1x1x32x2048xf32, #tpu.memory_space<vmem_shared>>
      %dma_wait3A_47 = tpu.memref_squeeze %dma_wait3A_46 : memref<1x1x32x2048xf32, #tpu.memory_space<vmem_shared>> -> memref<32x2048xf32, #tpu.memory_space<vmem_shared>>
      tpu.wait_dma2 semaphore(%arg7 : memref<!tpu.dma_semaphore, #tpu.memory_space<semaphore_mem>>) src(%dma_wait3A_47 : memref<32x2048xf32, #tpu.memory_space<vmem_shared>>) dst(%dma_wait3A_43 : memref<32x2048xf32, #tpu.memory_space<hbm>>)
      %add3A_48 = arith.constant 64 : i32
      %add3A_49 = arith.addi %add3A, %add3A_48 : i32
      %dma_start3A_50 = arith.constant 0 : i32
      %dma_start3A_51 = arith.constant 0 : i32
      %dma_start3A_52 = arith.constant 0 : i32
      %dma_start3A_53 = tpu.memref_slice %arg4[%arg1, %dma_start3A_50, %dma_start3A_51, %dma_start3A_52] : memref<8x2x32x2048xf32, #tpu.memory_space<vmem_shared>> -> memref<1x1x32x2048xf32, #tpu.memory_space<vmem_shared>>
      %dma_start3A_54 = tpu.memref_squeeze %dma_start3A_53 : memref<1x1x32x2048xf32, #tpu.memory_space<vmem_shared>> -> memref<32x2048xf32, #tpu.memory_space<vmem_shared>>
      %dma_start3A_55 = arith.constant 0 : i32
      %dma_start3A_56 = tpu.memref_slice %arg2[%add3A_49, %dma_start3A_55] : memref<8192x2048xf32, #tpu.memory_space<hbm>> -> memref<32x2048xf32, #tpu.memory_space<hbm>>
      tpu.enqueue_dma source(%dma_start3A_56 : memref<32x2048xf32, #tpu.memory_space<hbm>>) target(%dma_start3A_54 : memref<32x2048xf32, #tpu.memory_space<vmem_shared>>) target_semaphore(%arg5 : memref<!tpu.dma_semaphore, #tpu.memory_space<semaphore_mem>>)
      %add3A_57 = arith.constant 32 : i32
      %add3A_58 = arith.addi %add3A, %add3A_57 : i32
      %dma_wait3A_59 = arith.constant 1 : i32
      %dma_wait3A_60 = arith.constant 0 : i32
      %dma_wait3A_61 = arith.constant 0 : i32
      %dma_wait3A_62 = tpu.memref_slice %arg4[%arg1, %dma_wait3A_59, %dma_wait3A_60, %dma_wait3A_61] : memref<8x2x32x2048xf32, #tpu.memory_space<vmem_shared>> -> memref<1x1x32x2048xf32, #tpu.memory_space<vmem_shared>>
      %dma_wait3A_63 = tpu.memref_squeeze %dma_wait3A_62 : memref<1x1x32x2048xf32, #tpu.memory_space<vmem_shared>> -> memref<32x2048xf32, #tpu.memory_space<vmem_shared>>
      %dma_wait3A_64 = arith.constant 0 : i32
      %dma_wait3A_65 = tpu.memref_slice %arg2[%add3A_58, %dma_wait3A_64] : memref<8192x2048xf32, #tpu.memory_space<hbm>> -> memref<32x2048xf32, #tpu.memory_space<hbm>>
      tpu.wait_dma2 semaphore(%arg6 : memref<!tpu.dma_semaphore, #tpu.memory_space<semaphore_mem>>) src(%dma_wait3A_65 : memref<32x2048xf32, #tpu.memory_space<hbm>>) dst(%dma_wait3A_63 : memref<32x2048xf32, #tpu.memory_space<vmem_shared>>)
      %add3A_66 = arith.constant 32 : i32
      %add3A_67 = arith.addi %add3A, %add3A_66 : i32
      %dma_start3A_68 = arith.constant 1 : i32
      %dma_start3A_69 = arith.constant 0 : i32
      %dma_start3A_70 = tpu.memref_slice %arg3[%add3A_67, %dma_start3A_69] : memref<8192x2048xf32, #tpu.memory_space<hbm>> -> memref<32x2048xf32, #tpu.memory_space<hbm>>
      %dma_start3A_71 = arith.constant 0 : i32
      %dma_start3A_72 = arith.constant 0 : i32
      %dma_start3A_73 = tpu.memref_slice %arg4[%arg1, %dma_start3A_68, %dma_start3A_71, %dma_start3A_72] : memref<8x2x32x2048xf32, #tpu.memory_space<vmem_shared>> -> memref<1x1x32x2048xf32, #tpu.memory_space<vmem_shared>>
      %dma_start3A_74 = tpu.memref_squeeze %dma_start3A_73 : memref<1x1x32x2048xf32, #tpu.memory_space<vmem_shared>> -> memref<32x2048xf32, #tpu.memory_space<vmem_shared>>
      tpu.enqueue_dma source(%dma_start3A_74 : memref<32x2048xf32, #tpu.memory_space<vmem_shared>>) target(%dma_start3A_70 : memref<32x2048xf32, #tpu.memory_space<hbm>>) target_semaphore(%arg8 : memref<!tpu.dma_semaphore, #tpu.memory_space<semaphore_mem>>)
      %add3A_75 = arith.constant 32 : i32
      %add3A_76 = arith.addi %add3A, %add3A_75 : i32
      %dma_wait3A_77 = arith.constant 1 : i32
      %dma_wait3A_78 = arith.constant 0 : i32
      %dma_wait3A_79 = tpu.memref_slice %arg3[%add3A_76, %dma_wait3A_78] : memref<8192x2048xf32, #tpu.memory_space<hbm>> -> memref<32x2048xf32, #tpu.memory_space<hbm>>
      %dma_wait3A_80 = arith.constant 0 : i32
      %dma_wait3A_81 = arith.constant 0 : i32
      %dma_wait3A_82 = tpu.memref_slice %arg4[%arg1, %dma_wait3A_77, %dma_wait3A_80, %dma_wait3A_81] : memref<8x2x32x2048xf32, #tpu.memory_space<vmem_shared>> -> memref<1x1x32x2048xf32, #tpu.memory_space<vmem_shared>>
      %dma_wait3A_83 = tpu.memref_squeeze %dma_wait3A_82 : memref<1x1x32x2048xf32, #tpu.memory_space<vmem_shared>> -> memref<32x2048xf32, #tpu.memory_space<vmem_shared>>
      tpu.wait_dma2 semaphore(%arg8 : memref<!tpu.dma_semaphore, #tpu.memory_space<semaphore_mem>>) src(%dma_wait3A_83 : memref<32x2048xf32, #tpu.memory_space<vmem_shared>>) dst(%dma_wait3A_79 : memref<32x2048xf32, #tpu.memory_space<hbm>>)
      %add3A_84 = arith.constant 96 : i32
      %add3A_85 = arith.addi %add3A, %add3A_84 : i32
      %dma_start3A_86 = arith.constant 1 : i32
      %dma_start3A_87 = arith.constant 0 : i32
      %dma_start3A_88 = arith.constant 0 : i32
      %dma_start3A_89 = tpu.memref_slice %arg4[%arg1, %dma_start3A_86, %dma_start3A_87, %dma_start3A_88] : memref<8x2x32x2048xf32, #tpu.memory_space<vmem_shared>> -> memref<1x1x32x2048xf32, #tpu.memory_space<vmem_shared>>
      %dma_start3A_90 = tpu.memref_squeeze %dma_start3A_89 : memref<1x1x32x2048xf32, #tpu.memory_space<vmem_shared>> -> memref<32x2048xf32, #tpu.memory_space<vmem_shared>>
      %dma_start3A_91 = arith.constant 0 : i32
      %dma_start3A_92 = tpu.memref_slice %arg2[%add3A_85, %dma_start3A_91] : memref<8192x2048xf32, #tpu.memory_space<hbm>> -> memref<32x2048xf32, #tpu.memory_space<hbm>>
      tpu.enqueue_dma source(%dma_start3A_92 : memref<32x2048xf32, #tpu.memory_space<hbm>>) target(%dma_start3A_90 : memref<32x2048xf32, #tpu.memory_space<vmem_shared>>) target_semaphore(%arg6 : memref<!tpu.dma_semaphore, #tpu.memory_space<semaphore_mem>>)
      %add3A_93 = arith.constant 64 : i32
      %add3A_94 = arith.addi %add3A, %add3A_93 : i32
      %dma_wait3A_95 = arith.constant 0 : i32
      %dma_wait3A_96 = arith.constant 0 : i32
      %dma_wait3A_97 = arith.constant 0 : i32
      %dma_wait3A_98 = tpu.memref_slice %arg4[%arg1, %dma_wait3A_95, %dma_wait3A_96, %dma_wait3A_97] : memref<8x2x32x2048xf32, #tpu.memory_space<vmem_shared>> -> memref<1x1x32x2048xf32, #tpu.memory_space<vmem_shared>>
      %dma_wait3A_99 = tpu.memref_squeeze %dma_wait3A_98 : memref<1x1x32x2048xf32, #tpu.memory_space<vmem_shared>> -> memref<32x2048xf32, #tpu.memory_space<vmem_shared>>
      %dma_wait3A_100 = arith.constant 0 : i32
      %dma_wait3A_101 = tpu.memref_slice %arg2[%add3A_94, %dma_wait3A_100] : memref<8192x2048xf32, #tpu.memory_space<hbm>> -> memref<32x2048xf32, #tpu.memory_space<hbm>>
      tpu.wait_dma2 semaphore(%arg5 : memref<!tpu.dma_semaphore, #tpu.memory_space<semaphore_mem>>) src(%dma_wait3A_101 : memref<32x2048xf32, #tpu.memory_space<hbm>>) dst(%dma_wait3A_99 : memref<32x2048xf32, #tpu.memory_space<vmem_shared>>)
      %add3A_102 = arith.constant 64 : i32
      %add3A_103 = arith.addi %add3A, %add3A_102 : i32
      %dma_start3A_104 = arith.constant 0 : i32
      %dma_start3A_105 = arith.constant 0 : i32
      %dma_start3A_106 = tpu.memref_slice %arg3[%add3A_103, %dma_start3A_105] : memref<8192x2048xf32, #tpu.memory_space<hbm>> -> memref<32x2048xf32, #tpu.memory_space<hbm>>
      %dma_start3A_107 = arith.constant 0 : i32
      %dma_start3A_108 = arith.constant 0 : i32
      %dma_start3A_109 = tpu.memref_slice %arg4[%arg1, %dma_start3A_104, %dma_start3A_107, %dma_start3A_108] : memref<8x2x32x2048xf32, #tpu.memory_space<vmem_shared>> -> memref<1x1x32x2048xf32, #tpu.memory_space<vmem_shared>>
      %dma_start3A_110 = tpu.memref_squeeze %dma_start3A_109 : memref<1x1x32x2048xf32, #tpu.memory_space<vmem_shared>> -> memref<32x2048xf32, #tpu.memory_space<vmem_shared>>
      tpu.enqueue_dma source(%dma_start3A_110 : memref<32x2048xf32, #tpu.memory_space<vmem_shared>>) target(%dma_start3A_106 : memref<32x2048xf32, #tpu.memory_space<hbm>>) target_semaphore(%arg7 : memref<!tpu.dma_semaphore, #tpu.memory_space<semaphore_mem>>)
      %add3A_111 = arith.constant 64 : i32
      %add3A_112 = arith.addi %add3A, %add3A_111 : i32
      %dma_wait3A_113 = arith.constant 0 : i32
      %dma_wait3A_114 = arith.constant 0 : i32
      %dma_wait3A_115 = tpu.memref_slice %arg3[%add3A_112, %dma_wait3A_114] : memref<8192x2048xf32, #tpu.memory_space<hbm>> -> memref<32x2048xf32, #tpu.memory_space<hbm>>
      %dma_wait3A_116 = arith.constant 0 : i32
      %dma_wait3A_117 = arith.constant 0 : i32
      %dma_wait3A_118 = tpu.memref_slice %arg4[%arg1, %dma_wait3A_113, %dma_wait3A_116, %dma_wait3A_117] : memref<8x2x32x2048xf32, #tpu.memory_space<vmem_shared>> -> memref<1x1x32x2048xf32, #tpu.memory_space<vmem_shared>>
      %dma_wait3A_119 = tpu.memref_squeeze %dma_wait3A_118 : memref<1x1x32x2048xf32, #tpu.memory_space<vmem_shared>> -> memref<32x2048xf32, #tpu.memory_space<vmem_shared>>
      tpu.wait_dma2 semaphore(%arg7 : memref<!tpu.dma_semaphore, #tpu.memory_space<semaphore_mem>>) src(%dma_wait3A_119 : memref<32x2048xf32, #tpu.memory_space<vmem_shared>>) dst(%dma_wait3A_115 : memref<32x2048xf32, #tpu.memory_space<hbm>>)
      %add3A_120 = arith.constant 128 : i32
      %add3A_121 = arith.addi %add3A, %add3A_120 : i32
      %dma_start3A_122 = arith.constant 0 : i32
      %dma_start3A_123 = arith.constant 0 : i32
      %dma_start3A_124 = arith.constant 0 : i32
      %dma_start3A_125 = tpu.memref_slice %arg4[%arg1, %dma_start3A_122, %dma_start3A_123, %dma_start3A_124] : memref<8x2x32x2048xf32, #tpu.memory_space<vmem_shared>> -> memref<1x1x32x2048xf32, #tpu.memory_space<vmem_shared>>
      %dma_start3A_126 = tpu.memref_squeeze %dma_start3A_125 : memref<1x1x32x2048xf32, #tpu.memory_space<vmem_shared>> -> memref<32x2048xf32, #tpu.memory_space<vmem_shared>>
      %dma_start3A_127 = arith.constant 0 : i32
      %dma_start3A_128 = tpu.memref_slice %arg2[%add3A_121, %dma_start3A_127] : memref<8192x2048xf32, #tpu.memory_space<hbm>> -> memref<32x2048xf32, #tpu.memory_space<hbm>>
      tpu.enqueue_dma source(%dma_start3A_128 : memref<32x2048xf32, #tpu.memory_space<hbm>>) target(%dma_start3A_126 : memref<32x2048xf32, #tpu.memory_space<vmem_shared>>) target_semaphore(%arg5 : memref<!tpu.dma_semaphore, #tpu.memory_space<semaphore_mem>>)
      %add3A_129 = arith.constant 96 : i32
      %add3A_130 = arith.addi %add3A, %add3A_129 : i32
      %dma_wait3A_131 = arith.constant 1 : i32
      %dma_wait3A_132 = arith.constant 0 : i32
      %dma_wait3A_133 = arith.constant 0 : i32
      %dma_wait3A_134 = tpu.memref_slice %arg4[%arg1, %dma_wait3A_131, %dma_wait3A_132, %dma_wait3A_133] : memref<8x2x32x2048xf32, #tpu.memory_space<vmem_shared>> -> memref<1x1x32x2048xf32, #tpu.memory_space<vmem_shared>>
      %dma_wait3A_135 = tpu.memref_squeeze %dma_wait3A_134 : memref<1x1x32x2048xf32, #tpu.memory_space<vmem_shared>> -> memref<32x2048xf32, #tpu.memory_space<vmem_shared>>
      %dma_wait3A_136 = arith.constant 0 : i32
      %dma_wait3A_137 = tpu.memref_slice %arg2[%add3A_130, %dma_wait3A_136] : memref<8192x2048xf32, #tpu.memory_space<hbm>> -> memref<32x2048xf32, #tpu.memory_space<hbm>>
      tpu.wait_dma2 semaphore(%arg6 : memref<!tpu.dma_semaphore, #tpu.memory_space<semaphore_mem>>) src(%dma_wait3A_137 : memref<32x2048xf32, #tpu.memory_space<hbm>>) dst(%dma_wait3A_135 : memref<32x2048xf32, #tpu.memory_space<vmem_shared>>)
      %add3A_138 = arith.constant 96 : i32
      %add3A_139 = arith.addi %add3A, %add3A_138 : i32
      %dma_start3A_140 = arith.constant 1 : i32
      %dma_start3A_141 = arith.constant 0 : i32
      %dma_start3A_142 = tpu.memref_slice %arg3[%add3A_139, %dma_start3A_141] : memref<8192x2048xf32, #tpu.memory_space<hbm>> -> memref<32x2048xf32, #tpu.memory_space<hbm>>
      %dma_start3A_143 = arith.constant 0 : i32
      %dma_start3A_144 = arith.constant 0 : i32
      %dma_start3A_145 = tpu.memref_slice %arg4[%arg1, %dma_start3A_140, %dma_start3A_143, %dma_start3A_144] : memref<8x2x32x2048xf32, #tpu.memory_space<vmem_shared>> -> memref<1x1x32x2048xf32, #tpu.memory_space<vmem_shared>>
      %dma_start3A_146 = tpu.memref_squeeze %dma_start3A_145 : memref<1x1x32x2048xf32, #tpu.memory_space<vmem_shared>> -> memref<32x2048xf32, #tpu.memory_space<vmem_shared>>
      tpu.enqueue_dma source(%dma_start3A_146 : memref<32x2048xf32, #tpu.memory_space<vmem_shared>>) target(%dma_start3A_142 : memref<32x2048xf32, #tpu.memory_space<hbm>>) target_semaphore(%arg8 : memref<!tpu.dma_semaphore, #tpu.memory_space<semaphore_mem>>)
      %add3A_147 = arith.constant 96 : i32
      %add3A_148 = arith.addi %add3A, %add3A_147 : i32
      %dma_wait3A_149 = arith.constant 1 : i32
      %dma_wait3A_150 = arith.constant 0 : i32
      %dma_wait3A_151 = tpu.memref_slice %arg3[%add3A_148, %dma_wait3A_150] : memref<8192x2048xf32, #tpu.memory_space<hbm>> -> memref<32x2048xf32, #tpu.memory_space<hbm>>
      %dma_wait3A_152 = arith.constant 0 : i32
      %dma_wait3A_153 = arith.constant 0 : i32
      %dma_wait3A_154 = tpu.memref_slice %arg4[%arg1, %dma_wait3A_149, %dma_wait3A_152, %dma_wait3A_153] : memref<8x2x32x2048xf32, #tpu.memory_space<vmem_shared>> -> memref<1x1x32x2048xf32, #tpu.memory_space<vmem_shared>>
      %dma_wait3A_155 = tpu.memref_squeeze %dma_wait3A_154 : memref<1x1x32x2048xf32, #tpu.memory_space<vmem_shared>> -> memref<32x2048xf32, #tpu.memory_space<vmem_shared>>
      tpu.wait_dma2 semaphore(%arg8 : memref<!tpu.dma_semaphore, #tpu.memory_space<semaphore_mem>>) src(%dma_wait3A_155 : memref<32x2048xf32, #tpu.memory_space<vmem_shared>>) dst(%dma_wait3A_151 : memref<32x2048xf32, #tpu.memory_space<hbm>>)
      %add3A_156 = arith.constant 160 : i32
      %add3A_157 = arith.addi %add3A, %add3A_156 : i32
      %dma_start3A_158 = arith.constant 1 : i32
      %dma_start3A_159 = arith.constant 0 : i32
      %dma_start3A_160 = arith.constant 0 : i32
      %dma_start3A_161 = tpu.memref_slice %arg4[%arg1, %dma_start3A_158, %dma_start3A_159, %dma_start3A_160] : memref<8x2x32x2048xf32, #tpu.memory_space<vmem_shared>> -> memref<1x1x32x2048xf32, #tpu.memory_space<vmem_shared>>
      %dma_start3A_162 = tpu.memref_squeeze %dma_start3A_161 : memref<1x1x32x2048xf32, #tpu.memory_space<vmem_shared>> -> memref<32x2048xf32, #tpu.memory_space<vmem_shared>>
      %dma_start3A_163 = arith.constant 0 : i32
      %dma_start3A_164 = tpu.memref_slice %arg2[%add3A_157, %dma_start3A_163] : memref<8192x2048xf32, #tpu.memory_space<hbm>> -> memref<32x2048xf32, #tpu.memory_space<hbm>>
      tpu.enqueue_dma source(%dma_start3A_164 : memref<32x2048xf32, #tpu.memory_space<hbm>>) target(%dma_start3A_162 : memref<32x2048xf32, #tpu.memory_space<vmem_shared>>) target_semaphore(%arg6 : memref<!tpu.dma_semaphore, #tpu.memory_space<semaphore_mem>>)
      %add3A_165 = arith.constant 128 : i32
      %add3A_166 = arith.addi %add3A, %add3A_165 : i32
      %dma_wait3A_167 = arith.constant 0 : i32
      %dma_wait3A_168 = arith.constant 0 : i32
      %dma_wait3A_169 = arith.constant 0 : i32
      %dma_wait3A_170 = tpu.memref_slice %arg4[%arg1, %dma_wait3A_167, %dma_wait3A_168, %dma_wait3A_169] : memref<8x2x32x2048xf32, #tpu.memory_space<vmem_shared>> -> memref<1x1x32x2048xf32, #tpu.memory_space<vmem_shared>>
      %dma_wait3A_171 = tpu.memref_squeeze %dma_wait3A_170 : memref<1x1x32x2048xf32, #tpu.memory_space<vmem_shared>> -> memref<32x2048xf32, #tpu.memory_space<vmem_shared>>
      %dma_wait3A_172 = arith.constant 0 : i32
      %dma_wait3A_173 = tpu.memref_slice %arg2[%add3A_166, %dma_wait3A_172] : memref<8192x2048xf32, #tpu.memory_space<hbm>> -> memref<32x2048xf32, #tpu.memory_space<hbm>>
      tpu.wait_dma2 semaphore(%arg5 : memref<!tpu.dma_semaphore, #tpu.memory_space<semaphore_mem>>) src(%dma_wait3A_173 : memref<32x2048xf32, #tpu.memory_space<hbm>>) dst(%dma_wait3A_171 : memref<32x2048xf32, #tpu.memory_space<vmem_shared>>)
      %add3A_174 = arith.constant 128 : i32
      %add3A_175 = arith.addi %add3A, %add3A_174 : i32
      %dma_start3A_176 = arith.constant 0 : i32
      %dma_start3A_177 = arith.constant 0 : i32
      %dma_start3A_178 = tpu.memref_slice %arg3[%add3A_175, %dma_start3A_177] : memref<8192x2048xf32, #tpu.memory_space<hbm>> -> memref<32x2048xf32, #tpu.memory_space<hbm>>
      %dma_start3A_179 = arith.constant 0 : i32
      %dma_start3A_180 = arith.constant 0 : i32
      %dma_start3A_181 = tpu.memref_slice %arg4[%arg1, %dma_start3A_176, %dma_start3A_179, %dma_start3A_180] : memref<8x2x32x2048xf32, #tpu.memory_space<vmem_shared>> -> memref<1x1x32x2048xf32, #tpu.memory_space<vmem_shared>>
      %dma_start3A_182 = tpu.memref_squeeze %dma_start3A_181 : memref<1x1x32x2048xf32, #tpu.memory_space<vmem_shared>> -> memref<32x2048xf32, #tpu.memory_space<vmem_shared>>
      tpu.enqueue_dma source(%dma_start3A_182 : memref<32x2048xf32, #tpu.memory_space<vmem_shared>>) target(%dma_start3A_178 : memref<32x2048xf32, #tpu.memory_space<hbm>>) target_semaphore(%arg7 : memref<!tpu.dma_semaphore, #tpu.memory_space<semaphore_mem>>)
      %add3A_183 = arith.constant 128 : i32
      %add3A_184 = arith.addi %add3A, %add3A_183 : i32
      %dma_wait3A_185 = arith.constant 0 : i32
      %dma_wait3A_186 = arith.constant 0 : i32
      %dma_wait3A_187 = tpu.memref_slice %arg3[%add3A_184, %dma_wait3A_186] : memref<8192x2048xf32, #tpu.memory_space<hbm>> -> memref<32x2048xf32, #tpu.memory_space<hbm>>
      %dma_wait3A_188 = arith.constant 0 : i32
      %dma_wait3A_189 = arith.constant 0 : i32
      %dma_wait3A_190 = tpu.memref_slice %arg4[%arg1, %dma_wait3A_185, %dma_wait3A_188, %dma_wait3A_189] : memref<8x2x32x2048xf32, #tpu.memory_space<vmem_shared>> -> memref<1x1x32x2048xf32, #tpu.memory_space<vmem_shared>>
      %dma_wait3A_191 = tpu.memref_squeeze %dma_wait3A_190 : memref<1x1x32x2048xf32, #tpu.memory_space<vmem_shared>> -> memref<32x2048xf32, #tpu.memory_space<vmem_shared>>
      tpu.wait_dma2 semaphore(%arg7 : memref<!tpu.dma_semaphore, #tpu.memory_space<semaphore_mem>>) src(%dma_wait3A_191 : memref<32x2048xf32, #tpu.memory_space<vmem_shared>>) dst(%dma_wait3A_187 : memref<32x2048xf32, #tpu.memory_space<hbm>>)
      %add3A_192 = arith.constant 192 : i32
      %add3A_193 = arith.addi %add3A, %add3A_192 : i32
      %dma_start3A_194 = arith.constant 0 : i32
      %dma_start3A_195 = arith.constant 0 : i32
      %dma_start3A_196 = arith.constant 0 : i32
      %dma_start3A_197 = tpu.memref_slice %arg4[%arg1, %dma_start3A_194, %dma_start3A_195, %dma_start3A_196] : memref<8x2x32x2048xf32, #tpu.memory_space<vmem_shared>> -> memref<1x1x32x2048xf32, #tpu.memory_space<vmem_shared>>
      %dma_start3A_198 = tpu.memref_squeeze %dma_start3A_197 : memref<1x1x32x2048xf32, #tpu.memory_space<vmem_shared>> -> memref<32x2048xf32, #tpu.memory_space<vmem_shared>>
      %dma_start3A_199 = arith.constant 0 : i32
      %dma_start3A_200 = tpu.memref_slice %arg2[%add3A_193, %dma_start3A_199] : memref<8192x2048xf32, #tpu.memory_space<hbm>> -> memref<32x2048xf32, #tpu.memory_space<hbm>>
      tpu.enqueue_dma source(%dma_start3A_200 : memref<32x2048xf32, #tpu.memory_space<hbm>>) target(%dma_start3A_198 : memref<32x2048xf32, #tpu.memory_space<vmem_shared>>) target_semaphore(%arg5 : memref<!tpu.dma_semaphore, #tpu.memory_space<semaphore_mem>>)
      %add3A_201 = arith.constant 160 : i32
      %add3A_202 = arith.addi %add3A, %add3A_201 : i32
      %dma_wait3A_203 = arith.constant 1 : i32
      %dma_wait3A_204 = arith.constant 0 : i32
      %dma_wait3A_205 = arith.constant 0 : i32
      %dma_wait3A_206 = tpu.memref_slice %arg4[%arg1, %dma_wait3A_203, %dma_wait3A_204, %dma_wait3A_205] : memref<8x2x32x2048xf32, #tpu.memory_space<vmem_shared>> -> memref<1x1x32x2048xf32, #tpu.memory_space<vmem_shared>>
      %dma_wait3A_207 = tpu.memref_squeeze %dma_wait3A_206 : memref<1x1x32x2048xf32, #tpu.memory_space<vmem_shared>> -> memref<32x2048xf32, #tpu.memory_space<vmem_shared>>
      %dma_wait3A_208 = arith.constant 0 : i32
      %dma_wait3A_209 = tpu.memref_slice %arg2[%add3A_202, %dma_wait3A_208] : memref<8192x2048xf32, #tpu.memory_space<hbm>> -> memref<32x2048xf32, #tpu.memory_space<hbm>>
      tpu.wait_dma2 semaphore(%arg6 : memref<!tpu.dma_semaphore, #tpu.memory_space<semaphore_mem>>) src(%dma_wait3A_209 : memref<32x2048xf32, #tpu.memory_space<hbm>>) dst(%dma_wait3A_207 : memref<32x2048xf32, #tpu.memory_space<vmem_shared>>)
      %add3A_210 = arith.constant 160 : i32
      %add3A_211 = arith.addi %add3A, %add3A_210 : i32
      %dma_start3A_212 = arith.constant 1 : i32
      %dma_start3A_213 = arith.constant 0 : i32
      %dma_start3A_214 = tpu.memref_slice %arg3[%add3A_211, %dma_start3A_213] : memref<8192x2048xf32, #tpu.memory_space<hbm>> -> memref<32x2048xf32, #tpu.memory_space<hbm>>
      %dma_start3A_215 = arith.constant 0 : i32
      %dma_start3A_216 = arith.constant 0 : i32
      %dma_start3A_217 = tpu.memref_slice %arg4[%arg1, %dma_start3A_212, %dma_start3A_215, %dma_start3A_216] : memref<8x2x32x2048xf32, #tpu.memory_space<vmem_shared>> -> memref<1x1x32x2048xf32, #tpu.memory_space<vmem_shared>>
      %dma_start3A_218 = tpu.memref_squeeze %dma_start3A_217 : memref<1x1x32x2048xf32, #tpu.memory_space<vmem_shared>> -> memref<32x2048xf32, #tpu.memory_space<vmem_shared>>
      tpu.enqueue_dma source(%dma_start3A_218 : memref<32x2048xf32, #tpu.memory_space<vmem_shared>>) target(%dma_start3A_214 : memref<32x2048xf32, #tpu.memory_space<hbm>>) target_semaphore(%arg8 : memref<!tpu.dma_semaphore, #tpu.memory_space<semaphore_mem>>)
      %add3A_219 = arith.constant 160 : i32
      %add3A_220 = arith.addi %add3A, %add3A_219 : i32
      %dma_wait3A_221 = arith.constant 1 : i32
      %dma_wait3A_222 = arith.constant 0 : i32
      %dma_wait3A_223 = tpu.memref_slice %arg3[%add3A_220, %dma_wait3A_222] : memref<8192x2048xf32, #tpu.memory_space<hbm>> -> memref<32x2048xf32, #tpu.memory_space<hbm>>
      %dma_wait3A_224 = arith.constant 0 : i32
      %dma_wait3A_225 = arith.constant 0 : i32
      %dma_wait3A_226 = tpu.memref_slice %arg4[%arg1, %dma_wait3A_221, %dma_wait3A_224, %dma_wait3A_225] : memref<8x2x32x2048xf32, #tpu.memory_space<vmem_shared>> -> memref<1x1x32x2048xf32, #tpu.memory_space<vmem_shared>>
      %dma_wait3A_227 = tpu.memref_squeeze %dma_wait3A_226 : memref<1x1x32x2048xf32, #tpu.memory_space<vmem_shared>> -> memref<32x2048xf32, #tpu.memory_space<vmem_shared>>
      tpu.wait_dma2 semaphore(%arg8 : memref<!tpu.dma_semaphore, #tpu.memory_space<semaphore_mem>>) src(%dma_wait3A_227 : memref<32x2048xf32, #tpu.memory_space<vmem_shared>>) dst(%dma_wait3A_223 : memref<32x2048xf32, #tpu.memory_space<hbm>>)
      %add3A_228 = arith.constant 224 : i32
      %add3A_229 = arith.addi %add3A, %add3A_228 : i32
      %dma_start3A_230 = arith.constant 1 : i32
      %dma_start3A_231 = arith.constant 0 : i32
      %dma_start3A_232 = arith.constant 0 : i32
      %dma_start3A_233 = tpu.memref_slice %arg4[%arg1, %dma_start3A_230, %dma_start3A_231, %dma_start3A_232] : memref<8x2x32x2048xf32, #tpu.memory_space<vmem_shared>> -> memref<1x1x32x2048xf32, #tpu.memory_space<vmem_shared>>
      %dma_start3A_234 = tpu.memref_squeeze %dma_start3A_233 : memref<1x1x32x2048xf32, #tpu.memory_space<vmem_shared>> -> memref<32x2048xf32, #tpu.memory_space<vmem_shared>>
      %dma_start3A_235 = arith.constant 0 : i32
      %dma_start3A_236 = tpu.memref_slice %arg2[%add3A_229, %dma_start3A_235] : memref<8192x2048xf32, #tpu.memory_space<hbm>> -> memref<32x2048xf32, #tpu.memory_space<hbm>>
      tpu.enqueue_dma source(%dma_start3A_236 : memref<32x2048xf32, #tpu.memory_space<hbm>>) target(%dma_start3A_234 : memref<32x2048xf32, #tpu.memory_space<vmem_shared>>) target_semaphore(%arg6 : memref<!tpu.dma_semaphore, #tpu.memory_space<semaphore_mem>>)
      %add3A_237 = arith.constant 192 : i32
      %add3A_238 = arith.addi %add3A, %add3A_237 : i32
      %dma_wait3A_239 = arith.constant 0 : i32
      %dma_wait3A_240 = arith.constant 0 : i32
      %dma_wait3A_241 = arith.constant 0 : i32
      %dma_wait3A_242 = tpu.memref_slice %arg4[%arg1, %dma_wait3A_239, %dma_wait3A_240, %dma_wait3A_241] : memref<8x2x32x2048xf32, #tpu.memory_space<vmem_shared>> -> memref<1x1x32x2048xf32, #tpu.memory_space<vmem_shared>>
      %dma_wait3A_243 = tpu.memref_squeeze %dma_wait3A_242 : memref<1x1x32x2048xf32, #tpu.memory_space<vmem_shared>> -> memref<32x2048xf32, #tpu.memory_space<vmem_shared>>
      %dma_wait3A_244 = arith.constant 0 : i32
      %dma_wait3A_245 = tpu.memref_slice %arg2[%add3A_238, %dma_wait3A_244] : memref<8192x2048xf32, #tpu.memory_space<hbm>> -> memref<32x2048xf32, #tpu.memory_space<hbm>>
      tpu.wait_dma2 semaphore(%arg5 : memref<!tpu.dma_semaphore, #tpu.memory_space<semaphore_mem>>) src(%dma_wait3A_245 : memref<32x2048xf32, #tpu.memory_space<hbm>>) dst(%dma_wait3A_243 : memref<32x2048xf32, #tpu.memory_space<vmem_shared>>)
      %add3A_246 = arith.constant 192 : i32
      %add3A_247 = arith.addi %add3A, %add3A_246 : i32
      %dma_start3A_248 = arith.constant 0 : i32
      %dma_start3A_249 = arith.constant 0 : i32
      %dma_start3A_250 = tpu.memref_slice %arg3[%add3A_247, %dma_start3A_249] : memref<8192x2048xf32, #tpu.memory_space<hbm>> -> memref<32x2048xf32, #tpu.memory_space<hbm>>
      %dma_start3A_251 = arith.constant 0 : i32
      %dma_start3A_252 = arith.constant 0 : i32
      %dma_start3A_253 = tpu.memref_slice %arg4[%arg1, %dma_start3A_248, %dma_start3A_251, %dma_start3A_252] : memref<8x2x32x2048xf32, #tpu.memory_space<vmem_shared>> -> memref<1x1x32x2048xf32, #tpu.memory_space<vmem_shared>>
      %dma_start3A_254 = tpu.memref_squeeze %dma_start3A_253 : memref<1x1x32x2048xf32, #tpu.memory_space<vmem_shared>> -> memref<32x2048xf32, #tpu.memory_space<vmem_shared>>
      tpu.enqueue_dma source(%dma_start3A_254 : memref<32x2048xf32, #tpu.memory_space<vmem_shared>>) target(%dma_start3A_250 : memref<32x2048xf32, #tpu.memory_space<hbm>>) target_semaphore(%arg7 : memref<!tpu.dma_semaphore, #tpu.memory_space<semaphore_mem>>)
      %add3A_255 = arith.constant 192 : i32
      %add3A_256 = arith.addi %add3A, %add3A_255 : i32
      %dma_wait3A_257 = arith.constant 0 : i32
      %dma_wait3A_258 = arith.constant 0 : i32
      %dma_wait3A_259 = tpu.memref_slice %arg3[%add3A_256, %dma_wait3A_258] : memref<8192x2048xf32, #tpu.memory_space<hbm>> -> memref<32x2048xf32, #tpu.memory_space<hbm>>
      %dma_wait3A_260 = arith.constant 0 : i32
      %dma_wait3A_261 = arith.constant 0 : i32
      %dma_wait3A_262 = tpu.memref_slice %arg4[%arg1, %dma_wait3A_257, %dma_wait3A_260, %dma_wait3A_261] : memref<8x2x32x2048xf32, #tpu.memory_space<vmem_shared>> -> memref<1x1x32x2048xf32, #tpu.memory_space<vmem_shared>>
      %dma_wait3A_263 = tpu.memref_squeeze %dma_wait3A_262 : memref<1x1x32x2048xf32, #tpu.memory_space<vmem_shared>> -> memref<32x2048xf32, #tpu.memory_space<vmem_shared>>
      tpu.wait_dma2 semaphore(%arg7 : memref<!tpu.dma_semaphore, #tpu.memory_space<semaphore_mem>>) src(%dma_wait3A_263 : memref<32x2048xf32, #tpu.memory_space<vmem_shared>>) dst(%dma_wait3A_259 : memref<32x2048xf32, #tpu.memory_space<hbm>>)
      %add3A_264 = arith.constant 256 : i32
      %add3A_265 = arith.addi %add3A, %add3A_264 : i32
      %dma_start3A_266 = arith.constant 0 : i32
      %dma_start3A_267 = arith.constant 0 : i32
      %dma_start3A_268 = arith.constant 0 : i32
      %dma_start3A_269 = tpu.memref_slice %arg4[%arg1, %dma_start3A_266, %dma_start3A_267, %dma_start3A_268] : memref<8x2x32x2048xf32, #tpu.memory_space<vmem_shared>> -> memref<1x1x32x2048xf32, #tpu.memory_space<vmem_shared>>
      %dma_start3A_270 = tpu.memref_squeeze %dma_start3A_269 : memref<1x1x32x2048xf32, #tpu.memory_space<vmem_shared>> -> memref<32x2048xf32, #tpu.memory_space<vmem_shared>>
      %dma_start3A_271 = arith.constant 0 : i32
      %dma_start3A_272 = tpu.memref_slice %arg2[%add3A_265, %dma_start3A_271] : memref<8192x2048xf32, #tpu.memory_space<hbm>> -> memref<32x2048xf32, #tpu.memory_space<hbm>>
      tpu.enqueue_dma source(%dma_start3A_272 : memref<32x2048xf32, #tpu.memory_space<hbm>>) target(%dma_start3A_270 : memref<32x2048xf32, #tpu.memory_space<vmem_shared>>) target_semaphore(%arg5 : memref<!tpu.dma_semaphore, #tpu.memory_space<semaphore_mem>>)
      %add3A_273 = arith.constant 224 : i32
      %add3A_274 = arith.addi %add3A, %add3A_273 : i32
      %dma_wait3A_275 = arith.constant 1 : i32
      %dma_wait3A_276 = arith.constant 0 : i32
      %dma_wait3A_277 = arith.constant 0 : i32
      %dma_wait3A_278 = tpu.memref_slice %arg4[%arg1, %dma_wait3A_275, %dma_wait3A_276, %dma_wait3A_277] : memref<8x2x32x2048xf32, #tpu.memory_space<vmem_shared>> -> memref<1x1x32x2048xf32, #tpu.memory_space<vmem_shared>>
      %dma_wait3A_279 = tpu.memref_squeeze %dma_wait3A_278 : memref<1x1x32x2048xf32, #tpu.memory_space<vmem_shared>> -> memref<32x2048xf32, #tpu.memory_space<vmem_shared>>
      %dma_wait3A_280 = arith.constant 0 : i32
      %dma_wait3A_281 = tpu.memref_slice %arg2[%add3A_274, %dma_wait3A_280] : memref<8192x2048xf32, #tpu.memory_space<hbm>> -> memref<32x2048xf32, #tpu.memory_space<hbm>>
      tpu.wait_dma2 semaphore(%arg6 : memref<!tpu.dma_semaphore, #tpu.memory_space<semaphore_mem>>) src(%dma_wait3A_281 : memref<32x2048xf32, #tpu.memory_space<hbm>>) dst(%dma_wait3A_279 : memref<32x2048xf32, #tpu.memory_space<vmem_shared>>)
      %add3A_282 = arith.constant 224 : i32
      %add3A_283 = arith.addi %add3A, %add3A_282 : i32
      %dma_start3A_284 = arith.constant 1 : i32
      %dma_start3A_285 = arith.constant 0 : i32
      %dma_start3A_286 = tpu.memref_slice %arg3[%add3A_283, %dma_start3A_285] : memref<8192x2048xf32, #tpu.memory_space<hbm>> -> memref<32x2048xf32, #tpu.memory_space<hbm>>
      %dma_start3A_287 = arith.constant 0 : i32
      %dma_start3A_288 = arith.constant 0 : i32
      %dma_start3A_289 = tpu.memref_slice %arg4[%arg1, %dma_start3A_284, %dma_start3A_287, %dma_start3A_288] : memref<8x2x32x2048xf32, #tpu.memory_space<vmem_shared>> -> memref<1x1x32x2048xf32, #tpu.memory_space<vmem_shared>>
      %dma_start3A_290 = tpu.memref_squeeze %dma_start3A_289 : memref<1x1x32x2048xf32, #tpu.memory_space<vmem_shared>> -> memref<32x2048xf32, #tpu.memory_space<vmem_shared>>
      tpu.enqueue_dma source(%dma_start3A_290 : memref<32x2048xf32, #tpu.memory_space<vmem_shared>>) target(%dma_start3A_286 : memref<32x2048xf32, #tpu.memory_space<hbm>>) target_semaphore(%arg8 : memref<!tpu.dma_semaphore, #tpu.memory_space<semaphore_mem>>)
      %add3A_291 = arith.constant 224 : i32
      %add3A_292 = arith.addi %add3A, %add3A_291 : i32
      %dma_wait3A_293 = arith.constant 1 : i32
      %dma_wait3A_294 = arith.constant 0 : i32
      %dma_wait3A_295 = tpu.memref_slice %arg3[%add3A_292, %dma_wait3A_294] : memref<8192x2048xf32, #tpu.memory_space<hbm>> -> memref<32x2048xf32, #tpu.memory_space<hbm>>
      %dma_wait3A_296 = arith.constant 0 : i32
      %dma_wait3A_297 = arith.constant 0 : i32
      %dma_wait3A_298 = tpu.memref_slice %arg4[%arg1, %dma_wait3A_293, %dma_wait3A_296, %dma_wait3A_297] : memref<8x2x32x2048xf32, #tpu.memory_space<vmem_shared>> -> memref<1x1x32x2048xf32, #tpu.memory_space<vmem_shared>>
      %dma_wait3A_299 = tpu.memref_squeeze %dma_wait3A_298 : memref<1x1x32x2048xf32, #tpu.memory_space<vmem_shared>> -> memref<32x2048xf32, #tpu.memory_space<vmem_shared>>
      tpu.wait_dma2 semaphore(%arg8 : memref<!tpu.dma_semaphore, #tpu.memory_space<semaphore_mem>>) src(%dma_wait3A_299 : memref<32x2048xf32, #tpu.memory_space<vmem_shared>>) dst(%dma_wait3A_295 : memref<32x2048xf32, #tpu.memory_space<hbm>>)
      %add3A_300 = arith.constant 288 : i32
      %add3A_301 = arith.addi %add3A, %add3A_300 : i32
      %dma_start3A_302 = arith.constant 1 : i32
      %dma_start3A_303 = arith.constant 0 : i32
      %dma_start3A_304 = arith.constant 0 : i32
      %dma_start3A_305 = tpu.memref_slice %arg4[%arg1, %dma_start3A_302, %dma_start3A_303, %dma_start3A_304] : memref<8x2x32x2048xf32, #tpu.memory_space<vmem_shared>> -> memref<1x1x32x2048xf32, #tpu.memory_space<vmem_shared>>
      %dma_start3A_306 = tpu.memref_squeeze %dma_start3A_305 : memref<1x1x32x2048xf32, #tpu.memory_space<vmem_shared>> -> memref<32x2048xf32, #tpu.memory_space<vmem_shared>>
      %dma_start3A_307 = arith.constant 0 : i32
      %dma_start3A_308 = tpu.memref_slice %arg2[%add3A_301, %dma_start3A_307] : memref<8192x2048xf32, #tpu.memory_space<hbm>> -> memref<32x2048xf32, #tpu.memory_space<hbm>>
      tpu.enqueue_dma source(%dma_start3A_308 : memref<32x2048xf32, #tpu.memory_space<hbm>>) target(%dma_start3A_306 : memref<32x2048xf32, #tpu.memory_space<vmem_shared>>) target_semaphore(%arg6 : memref<!tpu.dma_semaphore, #tpu.memory_space<semaphore_mem>>)
      %add3A_309 = arith.constant 256 : i32
      %add3A_310 = arith.addi %add3A, %add3A_309 : i32
      %dma_wait3A_311 = arith.constant 0 : i32
      %dma_wait3A_312 = arith.constant 0 : i32
      %dma_wait3A_313 = arith.constant 0 : i32
      %dma_wait3A_314 = tpu.memref_slice %arg4[%arg1, %dma_wait3A_311, %dma_wait3A_312, %dma_wait3A_313] : memref<8x2x32x2048xf32, #tpu.memory_space<vmem_shared>> -> memref<1x1x32x2048xf32, #tpu.memory_space<vmem_shared>>
      %dma_wait3A_315 = tpu.memref_squeeze %dma_wait3A_314 : memref<1x1x32x2048xf32, #tpu.memory_space<vmem_shared>> -> memref<32x2048xf32, #tpu.memory_space<vmem_shared>>
      %dma_wait3A_316 = arith.constant 0 : i32
      %dma_wait3A_317 = tpu.memref_slice %arg2[%add3A_310, %dma_wait3A_316] : memref<8192x2048xf32, #tpu.memory_space<hbm>> -> memref<32x2048xf32, #tpu.memory_space<hbm>>
      tpu.wait_dma2 semaphore(%arg5 : memref<!tpu.dma_semaphore, #tpu.memory_space<semaphore_mem>>) src(%dma_wait3A_317 : memref<32x2048xf32, #tpu.memory_space<hbm>>) dst(%dma_wait3A_315 : memref<32x2048xf32, #tpu.memory_space<vmem_shared>>)
      %add3A_318 = arith.constant 256 : i32
      %add3A_319 = arith.addi %add3A, %add3A_318 : i32
      %dma_start3A_320 = arith.constant 0 : i32
      %dma_start3A_321 = arith.constant 0 : i32
      %dma_start3A_322 = tpu.memref_slice %arg3[%add3A_319, %dma_start3A_321] : memref<8192x2048xf32, #tpu.memory_space<hbm>> -> memref<32x2048xf32, #tpu.memory_space<hbm>>
      %dma_start3A_323 = arith.constant 0 : i32
      %dma_start3A_324 = arith.constant 0 : i32
      %dma_start3A_325 = tpu.memref_slice %arg4[%arg1, %dma_start3A_320, %dma_start3A_323, %dma_start3A_324] : memref<8x2x32x2048xf32, #tpu.memory_space<vmem_shared>> -> memref<1x1x32x2048xf32, #tpu.memory_space<vmem_shared>>
      %dma_start3A_326 = tpu.memref_squeeze %dma_start3A_325 : memref<1x1x32x2048xf32, #tpu.memory_space<vmem_shared>> -> memref<32x2048xf32, #tpu.memory_space<vmem_shared>>
      tpu.enqueue_dma source(%dma_start3A_326 : memref<32x2048xf32, #tpu.memory_space<vmem_shared>>) target(%dma_start3A_322 : memref<32x2048xf32, #tpu.memory_space<hbm>>) target_semaphore(%arg7 : memref<!tpu.dma_semaphore, #tpu.memory_space<semaphore_mem>>)
      %add3A_327 = arith.constant 256 : i32
      %add3A_328 = arith.addi %add3A, %add3A_327 : i32
      %dma_wait3A_329 = arith.constant 0 : i32
      %dma_wait3A_330 = arith.constant 0 : i32
      %dma_wait3A_331 = tpu.memref_slice %arg3[%add3A_328, %dma_wait3A_330] : memref<8192x2048xf32, #tpu.memory_space<hbm>> -> memref<32x2048xf32, #tpu.memory_space<hbm>>
      %dma_wait3A_332 = arith.constant 0 : i32
      %dma_wait3A_333 = arith.constant 0 : i32
      %dma_wait3A_334 = tpu.memref_slice %arg4[%arg1, %dma_wait3A_329, %dma_wait3A_332, %dma_wait3A_333] : memref<8x2x32x2048xf32, #tpu.memory_space<vmem_shared>> -> memref<1x1x32x2048xf32, #tpu.memory_space<vmem_shared>>
      %dma_wait3A_335 = tpu.memref_squeeze %dma_wait3A_334 : memref<1x1x32x2048xf32, #tpu.memory_space<vmem_shared>> -> memref<32x2048xf32, #tpu.memory_space<vmem_shared>>
      tpu.wait_dma2 semaphore(%arg7 : memref<!tpu.dma_semaphore, #tpu.memory_space<semaphore_mem>>) src(%dma_wait3A_335 : memref<32x2048xf32, #tpu.memory_space<vmem_shared>>) dst(%dma_wait3A_331 : memref<32x2048xf32, #tpu.memory_space<hbm>>)
      %add3A_336 = arith.constant 320 : i32
      %add3A_337 = arith.addi %add3A, %add3A_336 : i32
      %dma_start3A_338 = arith.constant 0 : i32
      %dma_start3A_339 = arith.constant 0 : i32
      %dma_start3A_340 = arith.constant 0 : i32
      %dma_start3A_341 = tpu.memref_slice %arg4[%arg1, %dma_start3A_338, %dma_start3A_339, %dma_start3A_340] : memref<8x2x32x2048xf32, #tpu.memory_space<vmem_shared>> -> memref<1x1x32x2048xf32, #tpu.memory_space<vmem_shared>>
      %dma_start3A_342 = tpu.memref_squeeze %dma_start3A_341 : memref<1x1x32x2048xf32, #tpu.memory_space<vmem_shared>> -> memref<32x2048xf32, #tpu.memory_space<vmem_shared>>
      %dma_start3A_343 = arith.constant 0 : i32
      %dma_start3A_344 = tpu.memref_slice %arg2[%add3A_337, %dma_start3A_343] : memref<8192x2048xf32, #tpu.memory_space<hbm>> -> memref<32x2048xf32, #tpu.memory_space<hbm>>
      tpu.enqueue_dma source(%dma_start3A_344 : memref<32x2048xf32, #tpu.memory_space<hbm>>) target(%dma_start3A_342 : memref<32x2048xf32, #tpu.memory_space<vmem_shared>>) target_semaphore(%arg5 : memref<!tpu.dma_semaphore, #tpu.memory_space<semaphore_mem>>)
      %add3A_345 = arith.constant 288 : i32
      %add3A_346 = arith.addi %add3A, %add3A_345 : i32
      %dma_wait3A_347 = arith.constant 1 : i32
      %dma_wait3A_348 = arith.constant 0 : i32
      %dma_wait3A_349 = arith.constant 0 : i32
      %dma_wait3A_350 = tpu.memref_slice %arg4[%arg1, %dma_wait3A_347, %dma_wait3A_348, %dma_wait3A_349] : memref<8x2x32x2048xf32, #tpu.memory_space<vmem_shared>> -> memref<1x1x32x2048xf32, #tpu.memory_space<vmem_shared>>
      %dma_wait3A_351 = tpu.memref_squeeze %dma_wait3A_350 : memref<1x1x32x2048xf32, #tpu.memory_space<vmem_shared>> -> memref<32x2048xf32, #tpu.memory_space<vmem_shared>>
      %dma_wait3A_352 = arith.constant 0 : i32
      %dma_wait3A_353 = tpu.memref_slice %arg2[%add3A_346, %dma_wait3A_352] : memref<8192x2048xf32, #tpu.memory_space<hbm>> -> memref<32x2048xf32, #tpu.memory_space<hbm>>
      tpu.wait_dma2 semaphore(%arg6 : memref<!tpu.dma_semaphore, #tpu.memory_space<semaphore_mem>>) src(%dma_wait3A_353 : memref<32x2048xf32, #tpu.memory_space<hbm>>) dst(%dma_wait3A_351 : memref<32x2048xf32, #tpu.memory_space<vmem_shared>>)
      %add3A_354 = arith.constant 288 : i32
      %add3A_355 = arith.addi %add3A, %add3A_354 : i32
      %dma_start3A_356 = arith.constant 1 : i32
      %dma_start3A_357 = arith.constant 0 : i32
      %dma_start3A_358 = tpu.memref_slice %arg3[%add3A_355, %dma_start3A_357] : memref<8192x2048xf32, #tpu.memory_space<hbm>> -> memref<32x2048xf32, #tpu.memory_space<hbm>>
      %dma_start3A_359 = arith.constant 0 : i32
      %dma_start3A_360 = arith.constant 0 : i32
      %dma_start3A_361 = tpu.memref_slice %arg4[%arg1, %dma_start3A_356, %dma_start3A_359, %dma_start3A_360] : memref<8x2x32x2048xf32, #tpu.memory_space<vmem_shared>> -> memref<1x1x32x2048xf32, #tpu.memory_space<vmem_shared>>
      %dma_start3A_362 = tpu.memref_squeeze %dma_start3A_361 : memref<1x1x32x2048xf32, #tpu.memory_space<vmem_shared>> -> memref<32x2048xf32, #tpu.memory_space<vmem_shared>>
      tpu.enqueue_dma source(%dma_start3A_362 : memref<32x2048xf32, #tpu.memory_space<vmem_shared>>) target(%dma_start3A_358 : memref<32x2048xf32, #tpu.memory_space<hbm>>) target_semaphore(%arg8 : memref<!tpu.dma_semaphore, #tpu.memory_space<semaphore_mem>>)
      %add3A_363 = arith.constant 288 : i32
      %add3A_364 = arith.addi %add3A, %add3A_363 : i32
      %dma_wait3A_365 = arith.constant 1 : i32
      %dma_wait3A_366 = arith.constant 0 : i32
      %dma_wait3A_367 = tpu.memref_slice %arg3[%add3A_364, %dma_wait3A_366] : memref<8192x2048xf32, #tpu.memory_space<hbm>> -> memref<32x2048xf32, #tpu.memory_space<hbm>>
      %dma_wait3A_368 = arith.constant 0 : i32
      %dma_wait3A_369 = arith.constant 0 : i32
      %dma_wait3A_370 = tpu.memref_slice %arg4[%arg1, %dma_wait3A_365, %dma_wait3A_368, %dma_wait3A_369] : memref<8x2x32x2048xf32, #tpu.memory_space<vmem_shared>> -> memref<1x1x32x2048xf32, #tpu.memory_space<vmem_shared>>
      %dma_wait3A_371 = tpu.memref_squeeze %dma_wait3A_370 : memref<1x1x32x2048xf32, #tpu.memory_space<vmem_shared>> -> memref<32x2048xf32, #tpu.memory_space<vmem_shared>>
      tpu.wait_dma2 semaphore(%arg8 : memref<!tpu.dma_semaphore, #tpu.memory_space<semaphore_mem>>) src(%dma_wait3A_371 : memref<32x2048xf32, #tpu.memory_space<vmem_shared>>) dst(%dma_wait3A_367 : memref<32x2048xf32, #tpu.memory_space<hbm>>)
      %add3A_372 = arith.constant 352 : i32
      %add3A_373 = arith.addi %add3A, %add3A_372 : i32
      %dma_start3A_374 = arith.constant 1 : i32
      %dma_start3A_375 = arith.constant 0 : i32
      %dma_start3A_376 = arith.constant 0 : i32
      %dma_start3A_377 = tpu.memref_slice %arg4[%arg1, %dma_start3A_374, %dma_start3A_375, %dma_start3A_376] : memref<8x2x32x2048xf32, #tpu.memory_space<vmem_shared>> -> memref<1x1x32x2048xf32, #tpu.memory_space<vmem_shared>>
      %dma_start3A_378 = tpu.memref_squeeze %dma_start3A_377 : memref<1x1x32x2048xf32, #tpu.memory_space<vmem_shared>> -> memref<32x2048xf32, #tpu.memory_space<vmem_shared>>
      %dma_start3A_379 = arith.constant 0 : i32
      %dma_start3A_380 = tpu.memref_slice %arg2[%add3A_373, %dma_start3A_379] : memref<8192x2048xf32, #tpu.memory_space<hbm>> -> memref<32x2048xf32, #tpu.memory_space<hbm>>
      tpu.enqueue_dma source(%dma_start3A_380 : memref<32x2048xf32, #tpu.memory_space<hbm>>) target(%dma_start3A_378 : memref<32x2048xf32, #tpu.memory_space<vmem_shared>>) target_semaphore(%arg6 : memref<!tpu.dma_semaphore, #tpu.memory_space<semaphore_mem>>)
      %add3A_381 = arith.constant 320 : i32
      %add3A_382 = arith.addi %add3A, %add3A_381 : i32
      %dma_wait3A_383 = arith.constant 0 : i32
      %dma_wait3A_384 = arith.constant 0 : i32
      %dma_wait3A_385 = arith.constant 0 : i32
      %dma_wait3A_386 = tpu.memref_slice %arg4[%arg1, %dma_wait3A_383, %dma_wait3A_384, %dma_wait3A_385] : memref<8x2x32x2048xf32, #tpu.memory_space<vmem_shared>> -> memref<1x1x32x2048xf32, #tpu.memory_space<vmem_shared>>
      %dma_wait3A_387 = tpu.memref_squeeze %dma_wait3A_386 : memref<1x1x32x2048xf32, #tpu.memory_space<vmem_shared>> -> memref<32x2048xf32, #tpu.memory_space<vmem_shared>>
      %dma_wait3A_388 = arith.constant 0 : i32
      %dma_wait3A_389 = tpu.memref_slice %arg2[%add3A_382, %dma_wait3A_388] : memref<8192x2048xf32, #tpu.memory_space<hbm>> -> memref<32x2048xf32, #tpu.memory_space<hbm>>
      tpu.wait_dma2 semaphore(%arg5 : memref<!tpu.dma_semaphore, #tpu.memory_space<semaphore_mem>>) src(%dma_wait3A_389 : memref<32x2048xf32, #tpu.memory_space<hbm>>) dst(%dma_wait3A_387 : memref<32x2048xf32, #tpu.memory_space<vmem_shared>>)
      %add3A_390 = arith.constant 320 : i32
      %add3A_391 = arith.addi %add3A, %add3A_390 : i32
      %dma_start3A_392 = arith.constant 0 : i32
      %dma_start3A_393 = arith.constant 0 : i32
      %dma_start3A_394 = tpu.memref_slice %arg3[%add3A_391, %dma_start3A_393] : memref<8192x2048xf32, #tpu.memory_space<hbm>> -> memref<32x2048xf32, #tpu.memory_space<hbm>>
      %dma_start3A_395 = arith.constant 0 : i32
      %dma_start3A_396 = arith.constant 0 : i32
      %dma_start3A_397 = tpu.memref_slice %arg4[%arg1, %dma_start3A_392, %dma_start3A_395, %dma_start3A_396] : memref<8x2x32x2048xf32, #tpu.memory_space<vmem_shared>> -> memref<1x1x32x2048xf32, #tpu.memory_space<vmem_shared>>
      %dma_start3A_398 = tpu.memref_squeeze %dma_start3A_397 : memref<1x1x32x2048xf32, #tpu.memory_space<vmem_shared>> -> memref<32x2048xf32, #tpu.memory_space<vmem_shared>>
      tpu.enqueue_dma source(%dma_start3A_398 : memref<32x2048xf32, #tpu.memory_space<vmem_shared>>) target(%dma_start3A_394 : memref<32x2048xf32, #tpu.memory_space<hbm>>) target_semaphore(%arg7 : memref<!tpu.dma_semaphore, #tpu.memory_space<semaphore_mem>>)
      %add3A_399 = arith.constant 320 : i32
      %add3A_400 = arith.addi %add3A, %add3A_399 : i32
      %dma_wait3A_401 = arith.constant 0 : i32
      %dma_wait3A_402 = arith.constant 0 : i32
      %dma_wait3A_403 = tpu.memref_slice %arg3[%add3A_400, %dma_wait3A_402] : memref<8192x2048xf32, #tpu.memory_space<hbm>> -> memref<32x2048xf32, #tpu.memory_space<hbm>>
      %dma_wait3A_404 = arith.constant 0 : i32
      %dma_wait3A_405 = arith.constant 0 : i32
      %dma_wait3A_406 = tpu.memref_slice %arg4[%arg1, %dma_wait3A_401, %dma_wait3A_404, %dma_wait3A_405] : memref<8x2x32x2048xf32, #tpu.memory_space<vmem_shared>> -> memref<1x1x32x2048xf32, #tpu.memory_space<vmem_shared>>
      %dma_wait3A_407 = tpu.memref_squeeze %dma_wait3A_406 : memref<1x1x32x2048xf32, #tpu.memory_space<vmem_shared>> -> memref<32x2048xf32, #tpu.memory_space<vmem_shared>>
      tpu.wait_dma2 semaphore(%arg7 : memref<!tpu.dma_semaphore, #tpu.memory_space<semaphore_mem>>) src(%dma_wait3A_407 : memref<32x2048xf32, #tpu.memory_space<vmem_shared>>) dst(%dma_wait3A_403 : memref<32x2048xf32, #tpu.memory_space<hbm>>)
      %add3A_408 = arith.constant 384 : i32
      %add3A_409 = arith.addi %add3A, %add3A_408 : i32
      %dma_start3A_410 = arith.constant 0 : i32
      %dma_start3A_411 = arith.constant 0 : i32
      %dma_start3A_412 = arith.constant 0 : i32
      %dma_start3A_413 = tpu.memref_slice %arg4[%arg1, %dma_start3A_410, %dma_start3A_411, %dma_start3A_412] : memref<8x2x32x2048xf32, #tpu.memory_space<vmem_shared>> -> memref<1x1x32x2048xf32, #tpu.memory_space<vmem_shared>>
      %dma_start3A_414 = tpu.memref_squeeze %dma_start3A_413 : memref<1x1x32x2048xf32, #tpu.memory_space<vmem_shared>> -> memref<32x2048xf32, #tpu.memory_space<vmem_shared>>
      %dma_start3A_415 = arith.constant 0 : i32
      %dma_start3A_416 = tpu.memref_slice %arg2[%add3A_409, %dma_start3A_415] : memref<8192x2048xf32, #tpu.memory_space<hbm>> -> memref<32x2048xf32, #tpu.memory_space<hbm>>
      tpu.enqueue_dma source(%dma_start3A_416 : memref<32x2048xf32, #tpu.memory_space<hbm>>) target(%dma_start3A_414 : memref<32x2048xf32, #tpu.memory_space<vmem_shared>>) target_semaphore(%arg5 : memref<!tpu.dma_semaphore, #tpu.memory_space<semaphore_mem>>)
      %add3A_417 = arith.constant 352 : i32
      %add3A_418 = arith.addi %add3A, %add3A_417 : i32
      %dma_wait3A_419 = arith.constant 1 : i32
      %dma_wait3A_420 = arith.constant 0 : i32
      %dma_wait3A_421 = arith.constant 0 : i32
      %dma_wait3A_422 = tpu.memref_slice %arg4[%arg1, %dma_wait3A_419, %dma_wait3A_420, %dma_wait3A_421] : memref<8x2x32x2048xf32, #tpu.memory_space<vmem_shared>> -> memref<1x1x32x2048xf32, #tpu.memory_space<vmem_shared>>
      %dma_wait3A_423 = tpu.memref_squeeze %dma_wait3A_422 : memref<1x1x32x2048xf32, #tpu.memory_space<vmem_shared>> -> memref<32x2048xf32, #tpu.memory_space<vmem_shared>>
      %dma_wait3A_424 = arith.constant 0 : i32
      %dma_wait3A_425 = tpu.memref_slice %arg2[%add3A_418, %dma_wait3A_424] : memref<8192x2048xf32, #tpu.memory_space<hbm>> -> memref<32x2048xf32, #tpu.memory_space<hbm>>
      tpu.wait_dma2 semaphore(%arg6 : memref<!tpu.dma_semaphore, #tpu.memory_space<semaphore_mem>>) src(%dma_wait3A_425 : memref<32x2048xf32, #tpu.memory_space<hbm>>) dst(%dma_wait3A_423 : memref<32x2048xf32, #tpu.memory_space<vmem_shared>>)
      %add3A_426 = arith.constant 352 : i32
      %add3A_427 = arith.addi %add3A, %add3A_426 : i32
      %dma_start3A_428 = arith.constant 1 : i32
      %dma_start3A_429 = arith.constant 0 : i32
      %dma_start3A_430 = tpu.memref_slice %arg3[%add3A_427, %dma_start3A_429] : memref<8192x2048xf32, #tpu.memory_space<hbm>> -> memref<32x2048xf32, #tpu.memory_space<hbm>>
      %dma_start3A_431 = arith.constant 0 : i32
      %dma_start3A_432 = arith.constant 0 : i32
      %dma_start3A_433 = tpu.memref_slice %arg4[%arg1, %dma_start3A_428, %dma_start3A_431, %dma_start3A_432] : memref<8x2x32x2048xf32, #tpu.memory_space<vmem_shared>> -> memref<1x1x32x2048xf32, #tpu.memory_space<vmem_shared>>
      %dma_start3A_434 = tpu.memref_squeeze %dma_start3A_433 : memref<1x1x32x2048xf32, #tpu.memory_space<vmem_shared>> -> memref<32x2048xf32, #tpu.memory_space<vmem_shared>>
      tpu.enqueue_dma source(%dma_start3A_434 : memref<32x2048xf32, #tpu.memory_space<vmem_shared>>) target(%dma_start3A_430 : memref<32x2048xf32, #tpu.memory_space<hbm>>) target_semaphore(%arg8 : memref<!tpu.dma_semaphore, #tpu.memory_space<semaphore_mem>>)
      %add3A_435 = arith.constant 352 : i32
      %add3A_436 = arith.addi %add3A, %add3A_435 : i32
      %dma_wait3A_437 = arith.constant 1 : i32
      %dma_wait3A_438 = arith.constant 0 : i32
      %dma_wait3A_439 = tpu.memref_slice %arg3[%add3A_436, %dma_wait3A_438] : memref<8192x2048xf32, #tpu.memory_space<hbm>> -> memref<32x2048xf32, #tpu.memory_space<hbm>>
      %dma_wait3A_440 = arith.constant 0 : i32
      %dma_wait3A_441 = arith.constant 0 : i32
      %dma_wait3A_442 = tpu.memref_slice %arg4[%arg1, %dma_wait3A_437, %dma_wait3A_440, %dma_wait3A_441] : memref<8x2x32x2048xf32, #tpu.memory_space<vmem_shared>> -> memref<1x1x32x2048xf32, #tpu.memory_space<vmem_shared>>
      %dma_wait3A_443 = tpu.memref_squeeze %dma_wait3A_442 : memref<1x1x32x2048xf32, #tpu.memory_space<vmem_shared>> -> memref<32x2048xf32, #tpu.memory_space<vmem_shared>>
      tpu.wait_dma2 semaphore(%arg8 : memref<!tpu.dma_semaphore, #tpu.memory_space<semaphore_mem>>) src(%dma_wait3A_443 : memref<32x2048xf32, #tpu.memory_space<vmem_shared>>) dst(%dma_wait3A_439 : memref<32x2048xf32, #tpu.memory_space<hbm>>)
      %add3A_444 = arith.constant 416 : i32
      %add3A_445 = arith.addi %add3A, %add3A_444 : i32
      %dma_start3A_446 = arith.constant 1 : i32
      %dma_start3A_447 = arith.constant 0 : i32
      %dma_start3A_448 = arith.constant 0 : i32
      %dma_start3A_449 = tpu.memref_slice %arg4[%arg1, %dma_start3A_446, %dma_start3A_447, %dma_start3A_448] : memref<8x2x32x2048xf32, #tpu.memory_space<vmem_shared>> -> memref<1x1x32x2048xf32, #tpu.memory_space<vmem_shared>>
      %dma_start3A_450 = tpu.memref_squeeze %dma_start3A_449 : memref<1x1x32x2048xf32, #tpu.memory_space<vmem_shared>> -> memref<32x2048xf32, #tpu.memory_space<vmem_shared>>
      %dma_start3A_451 = arith.constant 0 : i32
      %dma_start3A_452 = tpu.memref_slice %arg2[%add3A_445, %dma_start3A_451] : memref<8192x2048xf32, #tpu.memory_space<hbm>> -> memref<32x2048xf32, #tpu.memory_space<hbm>>
      tpu.enqueue_dma source(%dma_start3A_452 : memref<32x2048xf32, #tpu.memory_space<hbm>>) target(%dma_start3A_450 : memref<32x2048xf32, #tpu.memory_space<vmem_shared>>) target_semaphore(%arg6 : memref<!tpu.dma_semaphore, #tpu.memory_space<semaphore_mem>>)
      %add3A_453 = arith.constant 384 : i32
      %add3A_454 = arith.addi %add3A, %add3A_453 : i32
      %dma_wait3A_455 = arith.constant 0 : i32
      %dma_wait3A_456 = arith.constant 0 : i32
      %dma_wait3A_457 = arith.constant 0 : i32
      %dma_wait3A_458 = tpu.memref_slice %arg4[%arg1, %dma_wait3A_455, %dma_wait3A_456, %dma_wait3A_457] : memref<8x2x32x2048xf32, #tpu.memory_space<vmem_shared>> -> memref<1x1x32x2048xf32, #tpu.memory_space<vmem_shared>>
      %dma_wait3A_459 = tpu.memref_squeeze %dma_wait3A_458 : memref<1x1x32x2048xf32, #tpu.memory_space<vmem_shared>> -> memref<32x2048xf32, #tpu.memory_space<vmem_shared>>
      %dma_wait3A_460 = arith.constant 0 : i32
      %dma_wait3A_461 = tpu.memref_slice %arg2[%add3A_454, %dma_wait3A_460] : memref<8192x2048xf32, #tpu.memory_space<hbm>> -> memref<32x2048xf32, #tpu.memory_space<hbm>>
      tpu.wait_dma2 semaphore(%arg5 : memref<!tpu.dma_semaphore, #tpu.memory_space<semaphore_mem>>) src(%dma_wait3A_461 : memref<32x2048xf32, #tpu.memory_space<hbm>>) dst(%dma_wait3A_459 : memref<32x2048xf32, #tpu.memory_space<vmem_shared>>)
      %add3A_462 = arith.constant 384 : i32
      %add3A_463 = arith.addi %add3A, %add3A_462 : i32
      %dma_start3A_464 = arith.constant 0 : i32
      %dma_start3A_465 = arith.constant 0 : i32
      %dma_start3A_466 = tpu.memref_slice %arg3[%add3A_463, %dma_start3A_465] : memref<8192x2048xf32, #tpu.memory_space<hbm>> -> memref<32x2048xf32, #tpu.memory_space<hbm>>
      %dma_start3A_467 = arith.constant 0 : i32
      %dma_start3A_468 = arith.constant 0 : i32
      %dma_start3A_469 = tpu.memref_slice %arg4[%arg1, %dma_start3A_464, %dma_start3A_467, %dma_start3A_468] : memref<8x2x32x2048xf32, #tpu.memory_space<vmem_shared>> -> memref<1x1x32x2048xf32, #tpu.memory_space<vmem_shared>>
      %dma_start3A_470 = tpu.memref_squeeze %dma_start3A_469 : memref<1x1x32x2048xf32, #tpu.memory_space<vmem_shared>> -> memref<32x2048xf32, #tpu.memory_space<vmem_shared>>
      tpu.enqueue_dma source(%dma_start3A_470 : memref<32x2048xf32, #tpu.memory_space<vmem_shared>>) target(%dma_start3A_466 : memref<32x2048xf32, #tpu.memory_space<hbm>>) target_semaphore(%arg7 : memref<!tpu.dma_semaphore, #tpu.memory_space<semaphore_mem>>)
      %add3A_471 = arith.constant 384 : i32
      %add3A_472 = arith.addi %add3A, %add3A_471 : i32
      %dma_wait3A_473 = arith.constant 0 : i32
      %dma_wait3A_474 = arith.constant 0 : i32
      %dma_wait3A_475 = tpu.memref_slice %arg3[%add3A_472, %dma_wait3A_474] : memref<8192x2048xf32, #tpu.memory_space<hbm>> -> memref<32x2048xf32, #tpu.memory_space<hbm>>
      %dma_wait3A_476 = arith.constant 0 : i32
      %dma_wait3A_477 = arith.constant 0 : i32
      %dma_wait3A_478 = tpu.memref_slice %arg4[%arg1, %dma_wait3A_473, %dma_wait3A_476, %dma_wait3A_477] : memref<8x2x32x2048xf32, #tpu.memory_space<vmem_shared>> -> memref<1x1x32x2048xf32, #tpu.memory_space<vmem_shared>>
      %dma_wait3A_479 = tpu.memref_squeeze %dma_wait3A_478 : memref<1x1x32x2048xf32, #tpu.memory_space<vmem_shared>> -> memref<32x2048xf32, #tpu.memory_space<vmem_shared>>
      tpu.wait_dma2 semaphore(%arg7 : memref<!tpu.dma_semaphore, #tpu.memory_space<semaphore_mem>>) src(%dma_wait3A_479 : memref<32x2048xf32, #tpu.memory_space<vmem_shared>>) dst(%dma_wait3A_475 : memref<32x2048xf32, #tpu.memory_space<hbm>>)
      %add3A_480 = arith.constant 448 : i32
      %add3A_481 = arith.addi %add3A, %add3A_480 : i32
      %dma_start3A_482 = arith.constant 0 : i32
      %dma_start3A_483 = arith.constant 0 : i32
      %dma_start3A_484 = arith.constant 0 : i32
      %dma_start3A_485 = tpu.memref_slice %arg4[%arg1, %dma_start3A_482, %dma_start3A_483, %dma_start3A_484] : memref<8x2x32x2048xf32, #tpu.memory_space<vmem_shared>> -> memref<1x1x32x2048xf32, #tpu.memory_space<vmem_shared>>
      %dma_start3A_486 = tpu.memref_squeeze %dma_start3A_485 : memref<1x1x32x2048xf32, #tpu.memory_space<vmem_shared>> -> memref<32x2048xf32, #tpu.memory_space<vmem_shared>>
      %dma_start3A_487 = arith.constant 0 : i32
      %dma_start3A_488 = tpu.memref_slice %arg2[%add3A_481, %dma_start3A_487] : memref<8192x2048xf32, #tpu.memory_space<hbm>> -> memref<32x2048xf32, #tpu.memory_space<hbm>>
      tpu.enqueue_dma source(%dma_start3A_488 : memref<32x2048xf32, #tpu.memory_space<hbm>>) target(%dma_start3A_486 : memref<32x2048xf32, #tpu.memory_space<vmem_shared>>) target_semaphore(%arg5 : memref<!tpu.dma_semaphore, #tpu.memory_space<semaphore_mem>>)
      %add3A_489 = arith.constant 416 : i32
      %add3A_490 = arith.addi %add3A, %add3A_489 : i32
      %dma_wait3A_491 = arith.constant 1 : i32
      %dma_wait3A_492 = arith.constant 0 : i32
      %dma_wait3A_493 = arith.constant 0 : i32
      %dma_wait3A_494 = tpu.memref_slice %arg4[%arg1, %dma_wait3A_491, %dma_wait3A_492, %dma_wait3A_493] : memref<8x2x32x2048xf32, #tpu.memory_space<vmem_shared>> -> memref<1x1x32x2048xf32, #tpu.memory_space<vmem_shared>>
      %dma_wait3A_495 = tpu.memref_squeeze %dma_wait3A_494 : memref<1x1x32x2048xf32, #tpu.memory_space<vmem_shared>> -> memref<32x2048xf32, #tpu.memory_space<vmem_shared>>
      %dma_wait3A_496 = arith.constant 0 : i32
      %dma_wait3A_497 = tpu.memref_slice %arg2[%add3A_490, %dma_wait3A_496] : memref<8192x2048xf32, #tpu.memory_space<hbm>> -> memref<32x2048xf32, #tpu.memory_space<hbm>>
      tpu.wait_dma2 semaphore(%arg6 : memref<!tpu.dma_semaphore, #tpu.memory_space<semaphore_mem>>) src(%dma_wait3A_497 : memref<32x2048xf32, #tpu.memory_space<hbm>>) dst(%dma_wait3A_495 : memref<32x2048xf32, #tpu.memory_space<vmem_shared>>)
      %add3A_498 = arith.constant 416 : i32
      %add3A_499 = arith.addi %add3A, %add3A_498 : i32
      %dma_start3A_500 = arith.constant 1 : i32
      %dma_start3A_501 = arith.constant 0 : i32
      %dma_start3A_502 = tpu.memref_slice %arg3[%add3A_499, %dma_start3A_501] : memref<8192x2048xf32, #tpu.memory_space<hbm>> -> memref<32x2048xf32, #tpu.memory_space<hbm>>
      %dma_start3A_503 = arith.constant 0 : i32
      %dma_start3A_504 = arith.constant 0 : i32
      %dma_start3A_505 = tpu.memref_slice %arg4[%arg1, %dma_start3A_500, %dma_start3A_503, %dma_start3A_504] : memref<8x2x32x2048xf32, #tpu.memory_space<vmem_shared>> -> memref<1x1x32x2048xf32, #tpu.memory_space<vmem_shared>>
      %dma_start3A_506 = tpu.memref_squeeze %dma_start3A_505 : memref<1x1x32x2048xf32, #tpu.memory_space<vmem_shared>> -> memref<32x2048xf32, #tpu.memory_space<vmem_shared>>
      tpu.enqueue_dma source(%dma_start3A_506 : memref<32x2048xf32, #tpu.memory_space<vmem_shared>>) target(%dma_start3A_502 : memref<32x2048xf32, #tpu.memory_space<hbm>>) target_semaphore(%arg8 : memref<!tpu.dma_semaphore, #tpu.memory_space<semaphore_mem>>)
      %add3A_507 = arith.constant 416 : i32
      %add3A_508 = arith.addi %add3A, %add3A_507 : i32
      %dma_wait3A_509 = arith.constant 1 : i32
      %dma_wait3A_510 = arith.constant 0 : i32
      %dma_wait3A_511 = tpu.memref_slice %arg3[%add3A_508, %dma_wait3A_510] : memref<8192x2048xf32, #tpu.memory_space<hbm>> -> memref<32x2048xf32, #tpu.memory_space<hbm>>
      %dma_wait3A_512 = arith.constant 0 : i32
      %dma_wait3A_513 = arith.constant 0 : i32
      %dma_wait3A_514 = tpu.memref_slice %arg4[%arg1, %dma_wait3A_509, %dma_wait3A_512, %dma_wait3A_513] : memref<8x2x32x2048xf32, #tpu.memory_space<vmem_shared>> -> memref<1x1x32x2048xf32, #tpu.memory_space<vmem_shared>>
      %dma_wait3A_515 = tpu.memref_squeeze %dma_wait3A_514 : memref<1x1x32x2048xf32, #tpu.memory_space<vmem_shared>> -> memref<32x2048xf32, #tpu.memory_space<vmem_shared>>
      tpu.wait_dma2 semaphore(%arg8 : memref<!tpu.dma_semaphore, #tpu.memory_space<semaphore_mem>>) src(%dma_wait3A_515 : memref<32x2048xf32, #tpu.memory_space<vmem_shared>>) dst(%dma_wait3A_511 : memref<32x2048xf32, #tpu.memory_space<hbm>>)
      %add3A_516 = arith.constant 480 : i32
      %add3A_517 = arith.addi %add3A, %add3A_516 : i32
      %dma_start3A_518 = arith.constant 1 : i32
      %dma_start3A_519 = arith.constant 0 : i32
      %dma_start3A_520 = arith.constant 0 : i32
      %dma_start3A_521 = tpu.memref_slice %arg4[%arg1, %dma_start3A_518, %dma_start3A_519, %dma_start3A_520] : memref<8x2x32x2048xf32, #tpu.memory_space<vmem_shared>> -> memref<1x1x32x2048xf32, #tpu.memory_space<vmem_shared>>
      %dma_start3A_522 = tpu.memref_squeeze %dma_start3A_521 : memref<1x1x32x2048xf32, #tpu.memory_space<vmem_shared>> -> memref<32x2048xf32, #tpu.memory_space<vmem_shared>>
      %dma_start3A_523 = arith.constant 0 : i32
      %dma_start3A_524 = tpu.memref_slice %arg2[%add3A_517, %dma_start3A_523] : memref<8192x2048xf32, #tpu.memory_space<hbm>> -> memref<32x2048xf32, #tpu.memory_space<hbm>>
      tpu.enqueue_dma source(%dma_start3A_524 : memref<32x2048xf32, #tpu.memory_space<hbm>>) target(%dma_start3A_522 : memref<32x2048xf32, #tpu.memory_space<vmem_shared>>) target_semaphore(%arg6 : memref<!tpu.dma_semaphore, #tpu.memory_space<semaphore_mem>>)
      %add3A_525 = arith.constant 448 : i32
      %add3A_526 = arith.addi %add3A, %add3A_525 : i32
      %dma_wait3A_527 = arith.constant 0 : i32
      %dma_wait3A_528 = arith.constant 0 : i32
      %dma_wait3A_529 = arith.constant 0 : i32
      %dma_wait3A_530 = tpu.memref_slice %arg4[%arg1, %dma_wait3A_527, %dma_wait3A_528, %dma_wait3A_529] : memref<8x2x32x2048xf32, #tpu.memory_space<vmem_shared>> -> memref<1x1x32x2048xf32, #tpu.memory_space<vmem_shared>>
      %dma_wait3A_531 = tpu.memref_squeeze %dma_wait3A_530 : memref<1x1x32x2048xf32, #tpu.memory_space<vmem_shared>> -> memref<32x2048xf32, #tpu.memory_space<vmem_shared>>
      %dma_wait3A_532 = arith.constant 0 : i32
      %dma_wait3A_533 = tpu.memref_slice %arg2[%add3A_526, %dma_wait3A_532] : memref<8192x2048xf32, #tpu.memory_space<hbm>> -> memref<32x2048xf32, #tpu.memory_space<hbm>>
      tpu.wait_dma2 semaphore(%arg5 : memref<!tpu.dma_semaphore, #tpu.memory_space<semaphore_mem>>) src(%dma_wait3A_533 : memref<32x2048xf32, #tpu.memory_space<hbm>>) dst(%dma_wait3A_531 : memref<32x2048xf32, #tpu.memory_space<vmem_shared>>)
      %add3A_534 = arith.constant 448 : i32
      %add3A_535 = arith.addi %add3A, %add3A_534 : i32
      %dma_start3A_536 = arith.constant 0 : i32
      %dma_start3A_537 = arith.constant 0 : i32
      %dma_start3A_538 = tpu.memref_slice %arg3[%add3A_535, %dma_start3A_537] : memref<8192x2048xf32, #tpu.memory_space<hbm>> -> memref<32x2048xf32, #tpu.memory_space<hbm>>
      %dma_start3A_539 = arith.constant 0 : i32
      %dma_start3A_540 = arith.constant 0 : i32
      %dma_start3A_541 = tpu.memref_slice %arg4[%arg1, %dma_start3A_536, %dma_start3A_539, %dma_start3A_540] : memref<8x2x32x2048xf32, #tpu.memory_space<vmem_shared>> -> memref<1x1x32x2048xf32, #tpu.memory_space<vmem_shared>>
      %dma_start3A_542 = tpu.memref_squeeze %dma_start3A_541 : memref<1x1x32x2048xf32, #tpu.memory_space<vmem_shared>> -> memref<32x2048xf32, #tpu.memory_space<vmem_shared>>
      tpu.enqueue_dma source(%dma_start3A_542 : memref<32x2048xf32, #tpu.memory_space<vmem_shared>>) target(%dma_start3A_538 : memref<32x2048xf32, #tpu.memory_space<hbm>>) target_semaphore(%arg7 : memref<!tpu.dma_semaphore, #tpu.memory_space<semaphore_mem>>)
      %add3A_543 = arith.constant 480 : i32
      %add3A_544 = arith.addi %add3A, %add3A_543 : i32
      %dma_wait3A_545 = arith.constant 1 : i32
      %dma_wait3A_546 = arith.constant 0 : i32
      %dma_wait3A_547 = arith.constant 0 : i32
      %dma_wait3A_548 = tpu.memref_slice %arg4[%arg1, %dma_wait3A_545, %dma_wait3A_546, %dma_wait3A_547] : memref<8x2x32x2048xf32, #tpu.memory_space<vmem_shared>> -> memref<1x1x32x2048xf32, #tpu.memory_space<vmem_shared>>
      %dma_wait3A_549 = tpu.memref_squeeze %dma_wait3A_548 : memref<1x1x32x2048xf32, #tpu.memory_space<vmem_shared>> -> memref<32x2048xf32, #tpu.memory_space<vmem_shared>>
      %dma_wait3A_550 = arith.constant 0 : i32
      %dma_wait3A_551 = tpu.memref_slice %arg2[%add3A_544, %dma_wait3A_550] : memref<8192x2048xf32, #tpu.memory_space<hbm>> -> memref<32x2048xf32, #tpu.memory_space<hbm>>
      tpu.wait_dma2 semaphore(%arg6 : memref<!tpu.dma_semaphore, #tpu.memory_space<semaphore_mem>>) src(%dma_wait3A_551 : memref<32x2048xf32, #tpu.memory_space<hbm>>) dst(%dma_wait3A_549 : memref<32x2048xf32, #tpu.memory_space<vmem_shared>>)
      %add3A_552 = arith.constant 480 : i32
      %add3A_553 = arith.addi %add3A, %add3A_552 : i32
      %dma_start3A_554 = arith.constant 1 : i32
      %dma_start3A_555 = arith.constant 0 : i32
      %dma_start3A_556 = tpu.memref_slice %arg3[%add3A_553, %dma_start3A_555] : memref<8192x2048xf32, #tpu.memory_space<hbm>> -> memref<32x2048xf32, #tpu.memory_space<hbm>>
      %dma_start3A_557 = arith.constant 0 : i32
      %dma_start3A_558 = arith.constant 0 : i32
      %dma_start3A_559 = tpu.memref_slice %arg4[%arg1, %dma_start3A_554, %dma_start3A_557, %dma_start3A_558] : memref<8x2x32x2048xf32, #tpu.memory_space<vmem_shared>> -> memref<1x1x32x2048xf32, #tpu.memory_space<vmem_shared>>
      %dma_start3A_560 = tpu.memref_squeeze %dma_start3A_559 : memref<1x1x32x2048xf32, #tpu.memory_space<vmem_shared>> -> memref<32x2048xf32, #tpu.memory_space<vmem_shared>>
      tpu.enqueue_dma source(%dma_start3A_560 : memref<32x2048xf32, #tpu.memory_space<vmem_shared>>) target(%dma_start3A_556 : memref<32x2048xf32, #tpu.memory_space<hbm>>) target_semaphore(%arg8 : memref<!tpu.dma_semaphore, #tpu.memory_space<semaphore_mem>>)
      %add3A_561 = arith.constant 448 : i32
      %add3A_562 = arith.addi %add3A, %add3A_561 : i32
      %dma_wait3A_563 = arith.constant 0 : i32
      %dma_wait3A_564 = arith.constant 0 : i32
      %dma_wait3A_565 = tpu.memref_slice %arg3[%add3A_562, %dma_wait3A_564] : memref<8192x2048xf32, #tpu.memory_space<hbm>> -> memref<32x2048xf32, #tpu.memory_space<hbm>>
      %dma_wait3A_566 = arith.constant 0 : i32
      %dma_wait3A_567 = arith.constant 0 : i32
      %dma_wait3A_568 = tpu.memref_slice %arg4[%arg1, %dma_wait3A_563, %dma_wait3A_566, %dma_wait3A_567] : memref<8x2x32x2048xf32, #tpu.memory_space<vmem_shared>> -> memref<1x1x32x2048xf32, #tpu.memory_space<vmem_shared>>
      %dma_wait3A_569 = tpu.memref_squeeze %dma_wait3A_568 : memref<1x1x32x2048xf32, #tpu.memory_space<vmem_shared>> -> memref<32x2048xf32, #tpu.memory_space<vmem_shared>>
      tpu.wait_dma2 semaphore(%arg7 : memref<!tpu.dma_semaphore, #tpu.memory_space<semaphore_mem>>) src(%dma_wait3A_569 : memref<32x2048xf32, #tpu.memory_space<vmem_shared>>) dst(%dma_wait3A_565 : memref<32x2048xf32, #tpu.memory_space<hbm>>)
      %add3A_570 = arith.constant 480 : i32
      %add3A_571 = arith.addi %add3A, %add3A_570 : i32
      %dma_wait3A_572 = arith.constant 1 : i32
      %dma_wait3A_573 = arith.constant 0 : i32
      %dma_wait3A_574 = tpu.memref_slice %arg3[%add3A_571, %dma_wait3A_573] : memref<8192x2048xf32, #tpu.memory_space<hbm>> -> memref<32x2048xf32, #tpu.memory_space<hbm>>
      %dma_wait3A_575 = arith.constant 0 : i32
      %dma_wait3A_576 = arith.constant 0 : i32
      %dma_wait3A_577 = tpu.memref_slice %arg4[%arg1, %dma_wait3A_572, %dma_wait3A_575, %dma_wait3A_576] : memref<8x2x32x2048xf32, #tpu.memory_space<vmem_shared>> -> memref<1x1x32x2048xf32, #tpu.memory_space<vmem_shared>>
      %dma_wait3A_578 = tpu.memref_squeeze %dma_wait3A_577 : memref<1x1x32x2048xf32, #tpu.memory_space<vmem_shared>> -> memref<32x2048xf32, #tpu.memory_space<vmem_shared>>
      tpu.wait_dma2 semaphore(%arg8 : memref<!tpu.dma_semaphore, #tpu.memory_space<semaphore_mem>>) src(%dma_wait3A_578 : memref<32x2048xf32, #tpu.memory_space<vmem_shared>>) dst(%dma_wait3A_574 : memref<32x2048xf32, #tpu.memory_space<hbm>>)
    } else {
    }
    return
  }
}

</mosaic_0001>

<sc_bundles>
// kernel: kernel.3.cloned.1.call-start
scs
__scs_entry_jumppad:
0x0: {  	(pc) =	sbr.rel $0x88, $3  }
0x1: {  	(tag) =	ssettag $0x0;
	lr =	simm.s32 $0x1  }
0x2: {  	[smem:$0x3FA0] =	sst lr;
	_ =	strace $0xD0000000  }
0x3: {  	_ = 	snop  }
0x4: {  	_ = 	snop  }
0x5: {  	_ = 	snop  }
0x6: {  	_ = 	snop  }
0x7: {  	_ = 	snop  }
__scs_overlays_trampoline_lowered:
0x8: {  	[smem:$0x3FAF] =	sst s0  }
0x9: {  	[smem:$0x3FB0] =	sst s1  }
0xa: {  	[smem:$0x3FB1] =	sst s2  }
0xb: {  	[smem:$0x3FB2] =	sst s3  }
0xc: {  	[smem:$0x3FB3] =	sst s4  }
0xd: {  	[smem:$0x3FB4] =	sst s5  }
0xe: {  	[smem:$0x3FB5] =	sst s6  }
0xf: {  	[smem:$0x3FB6] =	sst s7  }
0x10: {  	[smem:$0x3FB7] =	sst s8  }
0x11: {  	[smem:$0x3FB8] =	sst s9;
	s0 =	simm.s32 @!p0 $0x0  }
0x12: {  	s1 =	sld [smem:$0x3F9E];
	s0 =	simm.s32 @p0 $0x1  }
0x13: {  	[smem:$0x3FB9] =	sst s0;
	s0 =	simm.s32 @!p1 $0x0  }
0x14: {  	s2 =	sld [smem:$0x3F9D];
	s0 =	simm.s32 @p1 $0x1  }
0x15: {  	[smem:$0x3FBA] =	sst s0;
	s0 =	simm.s32 @!p2 $0x0  }
0x16: {  	s3 =	sld [smem:$0x3FDB];
	s0 =	simm.s32 @p2 $0x1  }
0x17: {  	s4 =	simm.s32 $0x1BF5;
	[smem:$0x3FBC] =	sst s0  }
0x18: {  	s0 =	sld [smem:$0x3F9F];
	_ =	swait.ge [sflag:s4], $0x0  }
0x19: {  	s7 =	sld [smem:$0x3FA0]  }
0x1a: {  	s8 =	sadd.s32 $0xFFFFE003, lr  }
0x1b: {  	s9 =	sadd.s32 $0xFFFFFEF7, lr;
	s5 =	simm.s32 $0xFFFFFFFF;
	p2 =	slt.u32 s8, $0xFFFFF086  }
0x1c: {  	p1 =	slt.u32 s9, $0xF7A;
	s5 =	simm.s32 @!p2 $0x0  }
0x1d: {  	s5 =	simm.s32 @p1 $0x1;
	p0 =	seq.s32 s7, s2  }
0x1e: {  	s7 =	smul.u32 @!p0 $0xF7A, s2;
	p2 =	seq.s32 @!p0 s5, $0x0  }
0x1f: {  	s9 =	smul.u32 $0xF7A, s1;
	s8 =	simm.s32 @!p0 $0x1BF5;
	p2 =	por !p2, p0  }
0x20: {  	[sflag:s8] =	ssyncset.s32 @!p0 $0xFFFFF086;
	s6 =	sadd.s32 @!p0 s3, s7;
	s7 =	simm.s32 @!p0 $0x108  }
0x21: {  	s3 =	sadd.s32 s3, s9;
	s6 =	sadd.s32 @!p0 $0x88, s6;
	s7 =	simm.s32 @p2 $0x1082  }
0x22: {  	[simem:s7], [sflag:s8] =	dma.local @!p0 [hbm:s6], $0xF7A  }
0x23: {  	s9 =	sor.u32 $0xD0000000, s2;
	s6 =	simm.s32 $0x108;
	_ =	swait.ge @!p0 [sflag:s8], $0x0  }
0x24: {  	s3 =	sadd.s32 $0x88, s3;
	s6 =	simm.s32 @!p1 $0x1082;
	[sflag:s4] =	ssyncset.s32 $0xFFFFF086  }
0x25: {  	[simem:s6], [sflag:s4] =	dma.local [hbm:s3], $0xF7A  }
0x26: {  	[smem:$0x3FA0] =	sst s1;
	(tag) =	ssettag s2;
	_ =	strace s9  }
0x27: {  	s1 =	sld [smem:$0x3FB0]  }
0x28: {  	s2 =	sld [smem:$0x3FB1]  }
0x29: {  	s4 =	sld [smem:$0x3FB3]  }
0x2a: {  	p0 =	seq.s32 s5, $0x0;
	s5 =	sld [smem:$0x3FB4]  }
0x2b: {  	s6 =	sld [smem:$0x3FB5]  }
0x2c: {  	s7 =	sld [smem:$0x3FB6]  }
0x2d: {  	s3 =	simm.s32 $0x108;
	s8 =	sld [smem:$0x3FB7]  }
0x2e: {  	s3 =	simm.s32 @!p0 $0x1082;
	s9 =	sld [smem:$0x3FB8]  }
0x2f: {  	lr =	sadd.s32 s0, s3;
	s0 =	sld [smem:$0x3FAF]  }
0x30: {  	s3 =	sld [smem:$0x3FB2]  }
0x31: {  	[smem:$0x3FBB] =	sst s10  }
0x32: {  	s10 =	sld [smem:$0x3FB9];
	_ =	sdelay $0x3  }
0x33: {  	p0 =	seq.s32 s10, $0x1;
	s10 =	sld [smem:$0x3FBB];
	_ =	sdelay $0x3  }
0x34: {  	[smem:$0x3FBB] =	sst s10  }
0x35: {  	s10 =	sld [smem:$0x3FBA];
	_ =	sdelay $0x3  }
0x36: {  	p1 =	seq.s32 s10, $0x1;
	s10 =	sld [smem:$0x3FBB];
	_ =	sdelay $0x3  }
0x37: {  	[smem:$0x3FBB] =	sst s10  }
0x38: {  	s10 =	sld [smem:$0x3FBC]  }
0x39: {  	_ = 	snop;
	(pc) =	sbr.ind lr, $3  }
0x3a: {  	_ = 	snop  }
0x3b: {  	_ = 	snop  }
0x3c: {  	p2 =	seq.s32 s10, $0x1;
	s10 =	sld [smem:$0x3FBB]  }
0x3d: {  	_ =	shalt  }
0x3e: {  	_ =	shalt  }
0x3f: {  	_ =	shalt  }
0x40: {  	_ =	shalt  }
0x41: {  	_ =	shalt  }
0x42: {  	_ =	shalt  }
0x43: {  	_ =	shalt  }
0x44: {  	_ =	shalt  }
0x45: {  	_ =	shalt  }
0x46: {  	_ =	shalt  }
0x47: {  	_ =	shalt  }
0x48: {  	_ =	shalt  }
0x49: {  	_ =	shalt  }
0x4a: {  	_ =	shalt  }
0x4b: {  	_ =	shalt  }
0x4c: {  	_ =	shalt  }
0x4d: {  	_ =	shalt  }
0x4e: {  	_ =	shalt  }
0x4f: {  	_ =	shalt  }
0x50: {  	_ =	shalt  }
0x51: {  	_ =	shalt  }
0x52: {  	_ =	shalt  }
0x53: {  	_ =	shalt  }
0x54: {  	_ =	shalt  }
0x55: {  	_ =	shalt  }
0x56: {  	_ =	shalt  }
0x57: {  	_ =	shalt  }
0x58: {  	_ =	shalt  }
0x59: {  	_ =	shalt  }
0x5a: {  	_ =	shalt  }
0x5b: {  	_ =	shalt  }
0x5c: {  	_ =	shalt  }
0x5d: {  	_ =	shalt  }
0x5e: {  	_ =	shalt  }
0x5f: {  	_ =	shalt  }
0x60: {  	_ =	shalt  }
0x61: {  	_ =	shalt  }
0x62: {  	_ =	shalt  }
0x63: {  	_ =	shalt  }
0x64: {  	_ =	shalt  }
0x65: {  	_ =	shalt  }
0x66: {  	_ =	shalt  }
0x67: {  	_ =	shalt  }
0x68: {  	_ =	shalt  }
0x69: {  	_ =	shalt  }
0x6a: {  	_ =	shalt  }
0x6b: {  	_ =	shalt  }
0x6c: {  	_ =	shalt  }
0x6d: {  	_ =	shalt  }
0x6e: {  	_ =	shalt  }
0x6f: {  	_ =	shalt  }
0x70: {  	_ =	shalt  }
0x71: {  	_ =	shalt  }
0x72: {  	_ =	shalt  }
0x73: {  	_ =	shalt  }
0x74: {  	_ =	shalt  }
0x75: {  	_ =	shalt  }
0x76: {  	_ =	shalt  }
0x77: {  	_ =	shalt  }
0x78: {  	_ =	shalt  }
0x79: {  	_ =	shalt  }
0x7a: {  	_ =	shalt  }
0x7b: {  	_ =	shalt  }
0x7c: {  	_ =	shalt  }
0x7d: {  	_ =	shalt  }
0x7e: {  	_ =	shalt  }
0x7f: {  	_ =	shalt  }
0x80: {  	_ =	shalt  }
0x81: {  	_ =	shalt  }
0x82: {  	_ =	shalt  }
0x83: {  	_ =	shalt  }
0x84: {  	_ =	shalt  }
0x85: {  	_ =	shalt  }
0x86: {  	_ =	shalt  }
0x87: {  	_ =	shalt  }
.Lfunc_end0:
.L_simem_size_0:
called_computation_lowered:
.L_overlay_start_0:
0x88: {  	s2 =	sld [smem:$0x3FD9]  }
0x89: {  	s3 =	sld [smem:$0x3FFE];
	_ =	sdelay $0x1  }
0x8a: {  	s1 =	srdreg.scid  }
0x8b: {  	s0 =	sand.u32 $0x1, s1  }
0x8c: {  	s18 =	sshll.u32 s0, $0xA;
	s2 =	sadd.s32 s3, s2  }
0x8d: {  	s2 =	sadd.s32 s2, s18  }
0x8e: {  	[smem:$0x3FC7] =	sst s2  }
0x8f: {  	_ = 	snop  }
0x90: {  	s2 =	sld [smem:$0x3FC9]  }
0x91: {  	s19 =	sld [smem:$0x3FD0];
	(tm) =	ssettm $0x1  }
0x92: {  	s4 =	sld [smem:$0x3FFB];
	_ =	sdelay $0x3  }
0x93: {  	_ =	strace s4  }
0x94: {  	s4 =	sld [smem:$0x3FFC];
	_ =	sdelay $0x3  }
0x95: {  	_ =	strace s4  }
0x96: {  	s4 =	sld [smem:$0x3FFD];
	_ =	sdelay $0x3  }
0x97: {  	_ =	strace s4  }
0x98: {  	_ =	strace $0x8FFFFFFF  }
0x99: {  	s20 =	sld [smem:$0x3FDB];
	_ =	sdelay $0x1  }
0x9a: {  	s5 =	simm.s32 $_scs_section_size  }
0x9b: {  	s6 =	simm.s32 $_size__tile_overlayer_lowered;
	s7 =	simm.s32 $_tile_overlayer_lowered  }
0x9c: {  	s23 =	simm.s32 $0x1BFF;
	s22 =	sshll.u32 s7, $0x1;
	s4 =	sadd.s32 s5, s20  }
0x9d: {  	s8 =	simm.s32 $0x0;
	s21 =	sshll.u32 s6, $0x1;
	s6 =	sadd.s32 s22, s4  }
0x9e: {  	[timem:s8], [sflag:s23] =	dma.local [hbm:s6], s21  }
0x9f: {  	_ =	swait.ge [sflag:s23], s21  }
0xa0: {  	s5 =	ssub.s32 $0x0, s21;
	[sflag:s23] =	ssyncset.done $0x0  }
0xa1: {  	[sflag:s23] =	ssyncadd.s32 s5;
	_ =	sdelay $0x1  }
0xa2: {  	s24 =	simm.s32 $0x1B8B  }
0xa3: {  	_ =	swait.ge [sflag:s24], $0x1  }
0xa4: {  	[sflag:s24] =	ssyncset.done $0x0  }
0xa5: {  	s25 =	simm.s32 $0x1B8E;
	[sflag:s24] =	ssyncadd.s32 $0xFFFFFFFF  }
0xa6: {  	s26 =	simm.s32 $execute0_lowered;
	[smem:$0x3FD2] =	sst s25  }
0xa7: {  	s5 =	sshll.u32 s26, $0x1;
	_ =	strace $0x80000046;
	[dreg:$0x1] =	wrdreg $0xFFFFFFFF  }
0xa8: {  	s28 =	simm.s32 $_size_execute0_lowered;
	s4 =	sadd.s32 s4, s5;
	[dreg:$0x0] =	wrdreg $0x0  }
0xa9: {  	s5 =	sshll.u32 s28, $0x1;
	[dreg:$0x2] =	wrdreg s4  }
0xaa: {  	[dreg:$0x3] =	wrdreg s5  }
0xab: {  	[dreg:$0x4] =	wrdreg $0xC0  }
0xac: {  	_ =	task [dreg:s8], $0x5FFFF  }
0xad: {  	[dreg:$0x1] =	wrdreg $0xFFFFFFFF  }
0xae: {  	[dreg:$0x0] =	wrdreg $0x60  }
0xaf: {  	[dreg:$0x2] =	wrdreg s2  }
0xb0: {  	[dreg:$0x3] =	wrdreg s19  }
0xb1: {  	[dreg:$0x4] =	wrdreg $0x0  }
0xb2: {  	[dreg:$0x5] =	wrdreg $0x9  }
0xb3: {  	_ =	task.clear_ibuf [dreg:s8], $0x6FFFF;
	_ =	strace $0x90000046  }
0xb4: {  	s29 =	simm.s32 $0x9;
	_ =	strace $0x80000048  }
0xb5: {  	_ =	swait.ge [sflag:s29], $0x1  }
0xb6: {  	[sflag:s29] =	ssyncadd.s32 $0xFFFFFFFF  }
0xb7: {  	_ =	strace $0x90000048  }
0xb8: {  	_ =	sfence  }
0xb9: {  	s30 =	sld [smem:$0x0];
	_ =	sdelay $0x2  }
0xba: {  	s31 =	sshll.u32 s1, $0xD;
	s1 =	sshrl.u32 s1, $0x2  }
0xbb: {  	s3 =	sand.u32 $0x4000, s31;
	s1 =	sadd.s32 s1, s30  }
0xbc: {  	s0 =	sor.u32 s3, s0;
	s1 =	sshll.u32 s1, $0x11  }
0xbd: {  	s0 =	sor.u32 s1, s0  }
0xbe: {  	s0 =	sadd.s32 $0x8F2B, s0  }
0xbf: {  	[sflag:s0] =	ssyncadd.remote.s32 $0x1  }
0xc0: {  	_ =	sfence.sel $0xFFFF  }
0xc1: {  	[dreg:$0x0] =	wrdreg $0xFFFFFFFF;
	(pc) =	sbr.abs _section_cstart, $3  }
0xc2: {  	[dreg:$0x1] =	wrdreg $0xFFFFFFFF  }
0xc3: {  	_ =	task.clear_ibuf [dreg:s8], $0x2FFFF;
	_ =	strace $0x9FFFFFFF  }
0xc4: {  	(tm) =	ssettm $0x7FFFFFFF  }
0xc5: {  	_ =	shalt  }
tec
execute0_lowered:
.L_overlay_start_1:
0x0: {  	(tag) =	ssettag $0x1  }
0x1: {  	s1 =	stileid.u32  }
0x2: {  	p0 =	sgt.u32 s1, $0x7  }
.Ltmp0:
0x3: {  	s4 =	rddreg [dreg:$0x0];
	(pc) =	sbr.rel @p0 .LBB2_7-.Ltmp0, $4  }
0x4: {  	s2 =	rddreg [dreg:$0x1]  }
0x5: {  	s5 =	rddreg [dreg:$0x2];
	s3 =	simm.s32 $0x0  }
0x6: {  	[smem:$0x7FF] =	sst s3  }
0x7: {  	s29 =	rddreg [dreg:$0x3];
	_ =	strace $0x80000047  }
0x8: {  	s3 =	srdreg.scid  }
0x9: {  	s3 =	sand.u32 $0x1, s3  }
0xa: {  	s7 =	sshll.u32 s1, $0x11;
	s6 =	sshll.u32 s3, $0x14  }
0xb: {  	s6 =	sadd.s32 s7, s6  }
0xc: {  	s8 =	sor.u32 $0x2000, s6;
	s0 =	sadd.s32 s2, s6  }
0xd: {  	s10 =	sor.u32 $0x4000, s6;
	s9 =	sadd.s32 s4, s8;
	[dreg:$0x5] =	wrdreg s0  }
0xe: {  	s11 =	sadd.s32 s4, s10;
	[dreg:$0x4] =	wrdreg s9  }
0xf: {  	s12 =	sor.u32 $0x6000, s6;
	s8 =	sadd.s32 s2, s8;
	[dreg:$0x6] =	wrdreg s11  }
0x10: {  	s13 =	sadd.s32 s4, s12;
	[dreg:$0x7] =	wrdreg s8  }
0x11: {  	s15 =	sor.u32 $0x8000, s6;
	s14 =	sadd.s32 s2, s10;
	[dreg:$0x8] =	wrdreg s13  }
0x12: {  	s16 =	sadd.s32 s4, s15;
	[dreg:$0x9] =	wrdreg s14  }
0x13: {  	s18 =	sor.u32 $0xA000, s6;
	s17 =	sadd.s32 s2, s12;
	[dreg:$0xa] =	wrdreg s16  }
0x14: {  	p0 =	por $0x0, $0x0;
	s19 =	sadd.s32 s4, s18;
	[dreg:$0xb] =	wrdreg s17  }
0x15: {  	s21 =	sor.u32 $0xC000, s6;
	s20 =	sadd.s32 s2, s15;
	[dreg:$0xc] =	wrdreg s19  }
0x16: {  	s24 =	sor.u32 $0xE000, s6;
	s22 =	sadd.s32 s4, s21;
	[dreg:$0xd] =	wrdreg s20  }
0x17: {  	s28 =	sor.u32 $0x10000, s6;
	s23 =	sadd.s32 s2, s18;
	[dreg:$0xe] =	wrdreg s22  }
0x18: {  	s25 =	sadd.s32 s4, s24;
	s26 =	sadd.s32 s2, s21;
	[dreg:$0xf] =	wrdreg s23  }
0x19: {  	s15 =	sadd.s32 s7, s5;
	s30 =	sadd.s32 s4, s28;
	[dreg:$0x10] =	wrdreg s25  }
0x1a: {  	s24 =	sadd.s32 s2, s24;
	s12 =	sor.u32 $0x1E000, s6;
	[dreg:$0x11] =	wrdreg s26  }
0x1b: {  	s0 =	sadd.s32 $0x10000, s15;
	[dreg:$0x12] =	wrdreg s30;
	s14 =	sor.u32 $0x12000, s6  }
0x1c: {  	s16 =	sor.u32 $0x14000, s6;
	s22 =	sadd.s32 s2, s28;
	s17 =	sor.u32 $0x16000, s6  }
0x1d: {  	s25 =	sor.u32 $0x18000, s6;
	s23 =	sadd.s32 s4, s14;
	s20 =	sadd.s32 s2, s14  }
0x1e: {  	s19 =	sadd.s32 s4, s17;
	s14 =	sadd.s32 s2, s17;
	s17 =	ssub.s32 $0x2, s3  }
0x1f: {  	s26 =	sor.u32 $0x1A000, s6;
	s28 =	sor.u32 $0x1C000, s6;
	s30 =	sshrl.u32 s17, $0x1  }
0x20: {  	s5 =	sadd.s32 s4, s12;
	s15 =	sshrl.u32 s15, $0x3;
	s10 =	ssub.s32 s17, s30  }
0x21: {  	s9 =	sadd.s32 s4, s28;
	s3 =	sadd.s32 s2, s28;
	s28 =	smax.u32 s10, $0x1  }
0x22: {  	s21 =	sadd.s32 s4, s16;
	s18 =	sadd.s32 s2, s16;
	p1 =	sne.s32 s28, $0x1  }
.Ltmp1:
0x23: {  	s16 =	sadd.s32 s4, s25;
	s13 =	sadd.s32 s4, s26;
	(pc) =	sbr.rel @!p1 .LBB2_6-.Ltmp1, $4  }
0x24: {  	s11 =	sadd.s32 s2, s25;
	s7 =	sadd.s32 s2, s26;
	s2 =	sadd.s32 s2, s12  }
0x25: {  	s25 =	sshll.u32 s1, $0x6;
	s26 =	sadd.s32 s4, s6;
	s8 =	sshrl.u32 s0, $0x3  }
0x26: {  	s12 =	simm.s32 $0x1;
	s6 =	simm.s32 $0x3;
	s4 =	simm.s32 $0x4  }
0x27: {  	s17 =	sor.u32 $0x1C01, s25;
	s10 =	simm.s32 $0x2;
	s31 =	sadd.s32 $0xFFFFFFFF, s28  }
0x28: {  	[spmem:s15], [sflag:s17] =	dma.local [hbm:s26], $0x2000  }
0x29: {  	s28 =	sor.u32 $0x1C02, s25;
	s29 =	rddreg [dreg:$0x4]  }
0x2a: {  	[spmem:s8], [sflag:s28] =	dma.local [hbm:s29], $0x2000  }
0x2b: {  	_ =	swait.ge [sflag:s12], $0x2000  }
0x2c: {  	[sflag:s12] =	ssyncset.done $0x0  }
0x2d: {  	s29 =	sor.u32 $0x1C03, s25;
	s30 =	rddreg [dreg:$0x5];
	[sflag:s12] =	ssyncadd.s32 $0xFFFFE000  }
0x2e: {  	[hbm:s30], [sflag:s29] =	dma.local [spmem:s15], $0x2000  }
0x2f: {  	_ =	swait.ge [sflag:s6], $0x2000  }
0x30: {  	[sflag:s6] =	ssyncset.done $0x0  }
0x31: {  	s30 =	rddreg [dreg:$0x6];
	[sflag:s6] =	ssyncadd.s32 $0xFFFFE000  }
0x32: {  	[spmem:s15], [sflag:s17] =	dma.local [hbm:s30], $0x2000  }
0x33: {  	_ =	swait.ge [sflag:s10], $0x2000  }
0x34: {  	[sflag:s10] =	ssyncset.done $0x0  }
0x35: {  	s30 =	sor.u32 $0x1C04, s25;
	s0 =	rddreg [dreg:$0x7];
	[sflag:s10] =	ssyncadd.s32 $0xFFFFE000  }
0x36: {  	[hbm:s0], [sflag:s30] =	dma.local [spmem:s8], $0x2000  }
0x37: {  	_ =	swait.ge [sflag:s4], $0x2000  }
0x38: {  	[sflag:s4] =	ssyncset.done $0x0  }
0x39: {  	s0 =	rddreg [dreg:$0x8];
	[sflag:s4] =	ssyncadd.s32 $0xFFFFE000  }
0x3a: {  	[spmem:s8], [sflag:s28] =	dma.local [hbm:s0], $0x2000  }
0x3b: {  	_ =	swait.ge [sflag:s12], $0x2000  }
0x3c: {  	[sflag:s12] =	ssyncset.done $0x0  }
0x3d: {  	s0 =	rddreg [dreg:$0x9];
	[sflag:s12] =	ssyncadd.s32 $0xFFFFE000  }
0x3e: {  	[hbm:s0], [sflag:s29] =	dma.local [spmem:s15], $0x2000  }
0x3f: {  	_ =	swait.ge [sflag:s6], $0x2000  }
0x40: {  	[sflag:s6] =	ssyncset.done $0x0  }
0x41: {  	s0 =	rddreg [dreg:$0xa];
	[sflag:s6] =	ssyncadd.s32 $0xFFFFE000  }
0x42: {  	[spmem:s15], [sflag:s17] =	dma.local [hbm:s0], $0x2000  }
0x43: {  	_ =	swait.ge [sflag:s10], $0x2000  }
0x44: {  	[sflag:s10] =	ssyncset.done $0x0  }
0x45: {  	s0 =	rddreg [dreg:$0xb];
	[sflag:s10] =	ssyncadd.s32 $0xFFFFE000  }
0x46: {  	[hbm:s0], [sflag:s30] =	dma.local [spmem:s8], $0x2000  }
0x47: {  	_ =	swait.ge [sflag:s4], $0x2000  }
0x48: {  	[sflag:s4] =	ssyncset.done $0x0  }
0x49: {  	s0 =	rddreg [dreg:$0xc];
	[sflag:s4] =	ssyncadd.s32 $0xFFFFE000  }
0x4a: {  	[spmem:s8], [sflag:s28] =	dma.local [hbm:s0], $0x2000  }
0x4b: {  	_ =	swait.ge [sflag:s12], $0x2000  }
0x4c: {  	[sflag:s12] =	ssyncset.done $0x0  }
0x4d: {  	s0 =	rddreg [dreg:$0xd];
	[sflag:s12] =	ssyncadd.s32 $0xFFFFE000  }
0x4e: {  	[hbm:s0], [sflag:s29] =	dma.local [spmem:s15], $0x2000  }
0x4f: {  	_ =	swait.ge [sflag:s6], $0x2000  }
0x50: {  	[sflag:s6] =	ssyncset.done $0x0  }
0x51: {  	s0 =	rddreg [dreg:$0xe];
	[sflag:s6] =	ssyncadd.s32 $0xFFFFE000  }
0x52: {  	[spmem:s15], [sflag:s17] =	dma.local [hbm:s0], $0x2000  }
0x53: {  	_ =	swait.ge [sflag:s10], $0x2000  }
0x54: {  	[sflag:s10] =	ssyncset.done $0x0  }
0x55: {  	s0 =	rddreg [dreg:$0xf];
	[sflag:s10] =	ssyncadd.s32 $0xFFFFE000  }
0x56: {  	[hbm:s0], [sflag:s30] =	dma.local [spmem:s8], $0x2000  }
0x57: {  	_ =	swait.ge [sflag:s4], $0x2000  }
0x58: {  	[sflag:s4] =	ssyncset.done $0x0  }
0x59: {  	s0 =	rddreg [dreg:$0x10];
	[sflag:s4] =	ssyncadd.s32 $0xFFFFE000  }
0x5a: {  	[spmem:s8], [sflag:s28] =	dma.local [hbm:s0], $0x2000  }
0x5b: {  	_ =	swait.ge [sflag:s12], $0x2000  }
0x5c: {  	[sflag:s12] =	ssyncset.done $0x0  }
0x5d: {  	s0 =	rddreg [dreg:$0x11];
	[sflag:s12] =	ssyncadd.s32 $0xFFFFE000  }
0x5e: {  	[hbm:s0], [sflag:s29] =	dma.local [spmem:s15], $0x2000  }
0x5f: {  	_ =	swait.ge [sflag:s6], $0x2000  }
0x60: {  	[sflag:s6] =	ssyncset.done $0x0  }
0x61: {  	s0 =	rddreg [dreg:$0x12];
	[sflag:s6] =	ssyncadd.s32 $0xFFFFE000  }
0x62: {  	[spmem:s15], [sflag:s17] =	dma.local [hbm:s0], $0x2000  }
0x63: {  	_ =	swait.ge [sflag:s10], $0x2000  }
0x64: {  	[sflag:s10] =	ssyncset.done $0x0  }
0x65: {  	[sflag:s10] =	ssyncadd.s32 $0xFFFFE000  }
0x66: {  	[hbm:s24], [sflag:s30] =	dma.local [spmem:s8], $0x2000  }
0x67: {  	_ =	swait.ge [sflag:s4], $0x2000  }
0x68: {  	[sflag:s4] =	ssyncset.done $0x0  }
0x69: {  	[sflag:s4] =	ssyncadd.s32 $0xFFFFE000  }
0x6a: {  	[spmem:s8], [sflag:s28] =	dma.local [hbm:s23], $0x2000  }
0x6b: {  	_ =	swait.ge [sflag:s12], $0x2000  }
0x6c: {  	[sflag:s12] =	ssyncset.done $0x0  }
0x6d: {  	[sflag:s12] =	ssyncadd.s32 $0xFFFFE000  }
0x6e: {  	[hbm:s22], [sflag:s29] =	dma.local [spmem:s15], $0x2000  }
0x6f: {  	_ =	swait.ge [sflag:s6], $0x2000  }
0x70: {  	[sflag:s6] =	ssyncset.done $0x0  }
0x71: {  	[sflag:s6] =	ssyncadd.s32 $0xFFFFE000  }
0x72: {  	[spmem:s15], [sflag:s17] =	dma.local [hbm:s21], $0x2000  }
0x73: {  	_ =	swait.ge [sflag:s10], $0x2000  }
0x74: {  	[sflag:s10] =	ssyncset.done $0x0  }
0x75: {  	[sflag:s10] =	ssyncadd.s32 $0xFFFFE000  }
0x76: {  	[hbm:s20], [sflag:s30] =	dma.local [spmem:s8], $0x2000  }
0x77: {  	_ =	swait.ge [sflag:s4], $0x2000  }
0x78: {  	[sflag:s4] =	ssyncset.done $0x0  }
0x79: {  	[sflag:s4] =	ssyncadd.s32 $0xFFFFE000  }
0x7a: {  	[spmem:s8], [sflag:s28] =	dma.local [hbm:s19], $0x2000  }
0x7b: {  	_ =	swait.ge [sflag:s12], $0x2000  }
0x7c: {  	[sflag:s12] =	ssyncset.done $0x0  }
0x7d: {  	[sflag:s12] =	ssyncadd.s32 $0xFFFFE000  }
0x7e: {  	[hbm:s18], [sflag:s29] =	dma.local [spmem:s15], $0x2000  }
0x7f: {  	_ =	swait.ge [sflag:s6], $0x2000  }
0x80: {  	[sflag:s6] =	ssyncset.done $0x0  }
0x81: {  	[sflag:s6] =	ssyncadd.s32 $0xFFFFE000  }
0x82: {  	[spmem:s15], [sflag:s17] =	dma.local [hbm:s16], $0x2000  }
0x83: {  	_ =	swait.ge [sflag:s10], $0x2000  }
0x84: {  	[sflag:s10] =	ssyncset.done $0x0  }
0x85: {  	[sflag:s10] =	ssyncadd.s32 $0xFFFFE000  }
0x86: {  	[hbm:s14], [sflag:s30] =	dma.local [spmem:s8], $0x2000  }
0x87: {  	_ =	swait.ge [sflag:s4], $0x2000  }
0x88: {  	[sflag:s4] =	ssyncset.done $0x0  }
0x89: {  	[sflag:s4] =	ssyncadd.s32 $0xFFFFE000  }
0x8a: {  	[spmem:s8], [sflag:s28] =	dma.local [hbm:s13], $0x2000  }
0x8b: {  	_ =	swait.ge [sflag:s12], $0x2000  }
0x8c: {  	[sflag:s12] =	ssyncset.done $0x0  }
0x8d: {  	[sflag:s12] =	ssyncadd.s32 $0xFFFFE000  }
0x8e: {  	[hbm:s11], [sflag:s29] =	dma.local [spmem:s15], $0x2000  }
0x8f: {  	_ =	swait.ge [sflag:s6], $0x2000  }
0x90: {  	[sflag:s6] =	ssyncset.done $0x0  }
0x91: {  	[sflag:s6] =	ssyncadd.s32 $0xFFFFE000  }
0x92: {  	[spmem:s15], [sflag:s17] =	dma.local [hbm:s9], $0x2000  }
0x93: {  	_ =	swait.ge [sflag:s10], $0x2000  }
0x94: {  	[sflag:s10] =	ssyncset.done $0x0  }
0x95: {  	[sflag:s10] =	ssyncadd.s32 $0xFFFFE000  }
0x96: {  	[hbm:s7], [sflag:s30] =	dma.local [spmem:s8], $0x2000  }
0x97: {  	_ =	swait.ge [sflag:s4], $0x2000  }
0x98: {  	[sflag:s4] =	ssyncset.done $0x0  }
0x99: {  	[sflag:s4] =	ssyncadd.s32 $0xFFFFE000  }
0x9a: {  	[spmem:s8], [sflag:s28] =	dma.local [hbm:s5], $0x2000  }
0x9b: {  	_ =	swait.ge [sflag:s12], $0x2000  }
0x9c: {  	[sflag:s12] =	ssyncset.done $0x0  }
0x9d: {  	[sflag:s12] =	ssyncadd.s32 $0xFFFFE000  }
0x9e: {  	[hbm:s3], [sflag:s29] =	dma.local [spmem:s15], $0x2000  }
0x9f: {  	_ =	swait.ge [sflag:s10], $0x2000  }
0xa0: {  	[sflag:s10] =	ssyncset.done $0x0  }
0xa1: {  	p1 =	sne.s32 s31, $0x1;
	[sflag:s10] =	ssyncadd.s32 $0xFFFFE000  }
0xa2: {  	[hbm:s2], [sflag:s30] =	dma.local [spmem:s8], $0x2000  }
.Ltmp2:
0xa3: {  	_ =	swait.ge [sflag:s6], $0x2000;
	(pc) =	sbr.rel @!p1 .LBB2_3-.Ltmp2, $4  }
0xa4: {  	[sflag:s6] =	ssyncset.done $0x0  }
0xa5: {  	[sflag:s6] =	ssyncadd.s32 $0xFFFFE000  }
0xa6: {  	_ =	swait.ge [sflag:s4], $0x2000  }
0xa7: {  	s31 =	sadd.s32 $0xFFFFFFFF, s31;
	p0 =	por $0x1, $0x1;
	[sflag:s4] =	ssyncset.done $0x0  }
.LBB2_4:
0xa8: {  	[sflag:s4] =	ssyncadd.s32 $0xFFFFE000  }
0xa9: {  	[spmem:s15], [sflag:s17] =	dma.local [hbm:s26], $0x2000  }
0xaa: {  	s0 =	rddreg [dreg:$0x4]  }
0xab: {  	[spmem:s8], [sflag:s28] =	dma.local [hbm:s0], $0x2000  }
0xac: {  	_ =	swait.ge [sflag:s12], $0x2000  }
0xad: {  	[sflag:s12] =	ssyncset.done $0x0  }
0xae: {  	s0 =	rddreg [dreg:$0x5];
	[sflag:s12] =	ssyncadd.s32 $0xFFFFE000  }
0xaf: {  	[hbm:s0], [sflag:s29] =	dma.local [spmem:s15], $0x2000  }
0xb0: {  	_ =	swait.ge [sflag:s6], $0x2000  }
0xb1: {  	[sflag:s6] =	ssyncset.done $0x0  }
0xb2: {  	s0 =	rddreg [dreg:$0x6];
	[sflag:s6] =	ssyncadd.s32 $0xFFFFE000  }
0xb3: {  	[spmem:s15], [sflag:s17] =	dma.local [hbm:s0], $0x2000  }
0xb4: {  	_ =	swait.ge [sflag:s10], $0x2000  }
0xb5: {  	[sflag:s10] =	ssyncset.done $0x0  }
0xb6: {  	s0 =	rddreg [dreg:$0x7];
	[sflag:s10] =	ssyncadd.s32 $0xFFFFE000  }
0xb7: {  	[hbm:s0], [sflag:s30] =	dma.local [spmem:s8], $0x2000  }
0xb8: {  	_ =	swait.ge [sflag:s4], $0x2000  }
0xb9: {  	[sflag:s4] =	ssyncset.done $0x0  }
0xba: {  	s0 =	rddreg [dreg:$0x8];
	[sflag:s4] =	ssyncadd.s32 $0xFFFFE000  }
0xbb: {  	[spmem:s8], [sflag:s28] =	dma.local [hbm:s0], $0x2000  }
0xbc: {  	_ =	swait.ge [sflag:s12], $0x2000  }
0xbd: {  	[sflag:s12] =	ssyncset.done $0x0  }
0xbe: {  	s0 =	rddreg [dreg:$0x9];
	[sflag:s12] =	ssyncadd.s32 $0xFFFFE000  }
0xbf: {  	[hbm:s0], [sflag:s29] =	dma.local [spmem:s15], $0x2000  }
0xc0: {  	_ =	swait.ge [sflag:s6], $0x2000  }
0xc1: {  	[sflag:s6] =	ssyncset.done $0x0  }
0xc2: {  	s0 =	rddreg [dreg:$0xa];
	[sflag:s6] =	ssyncadd.s32 $0xFFFFE000  }
0xc3: {  	[spmem:s15], [sflag:s17] =	dma.local [hbm:s0], $0x2000  }
0xc4: {  	_ =	swait.ge [sflag:s10], $0x2000  }
0xc5: {  	[sflag:s10] =	ssyncset.done $0x0  }
0xc6: {  	s0 =	rddreg [dreg:$0xb];
	[sflag:s10] =	ssyncadd.s32 $0xFFFFE000  }
0xc7: {  	[hbm:s0], [sflag:s30] =	dma.local [spmem:s8], $0x2000  }
0xc8: {  	_ =	swait.ge [sflag:s4], $0x2000  }
0xc9: {  	[sflag:s4] =	ssyncset.done $0x0  }
0xca: {  	s0 =	rddreg [dreg:$0xc];
	[sflag:s4] =	ssyncadd.s32 $0xFFFFE000  }
0xcb: {  	[spmem:s8], [sflag:s28] =	dma.local [hbm:s0], $0x2000  }
0xcc: {  	_ =	swait.ge [sflag:s12], $0x2000  }
0xcd: {  	[sflag:s12] =	ssyncset.done $0x0  }
0xce: {  	s0 =	rddreg [dreg:$0xd];
	[sflag:s12] =	ssyncadd.s32 $0xFFFFE000  }
0xcf: {  	[hbm:s0], [sflag:s29] =	dma.local [spmem:s15], $0x2000  }
0xd0: {  	_ =	swait.ge [sflag:s6], $0x2000  }
0xd1: {  	[sflag:s6] =	ssyncset.done $0x0  }
0xd2: {  	s0 =	rddreg [dreg:$0xe];
	[sflag:s6] =	ssyncadd.s32 $0xFFFFE000  }
0xd3: {  	[spmem:s15], [sflag:s17] =	dma.local [hbm:s0], $0x2000  }
0xd4: {  	_ =	swait.ge [sflag:s10], $0x2000  }
0xd5: {  	[sflag:s10] =	ssyncset.done $0x0  }
0xd6: {  	s0 =	rddreg [dreg:$0xf];
	[sflag:s10] =	ssyncadd.s32 $0xFFFFE000  }
0xd7: {  	[hbm:s0], [sflag:s30] =	dma.local [spmem:s8], $0x2000  }
0xd8: {  	_ =	swait.ge [sflag:s4], $0x2000  }
0xd9: {  	[sflag:s4] =	ssyncset.done $0x0  }
0xda: {  	s0 =	rddreg [dreg:$0x10];
	[sflag:s4] =	ssyncadd.s32 $0xFFFFE000  }
0xdb: {  	[spmem:s8], [sflag:s28] =	dma.local [hbm:s0], $0x2000  }
0xdc: {  	_ =	swait.ge [sflag:s12], $0x2000  }
0xdd: {  	[sflag:s12] =	ssyncset.done $0x0  }
0xde: {  	s0 =	rddreg [dreg:$0x11];
	[sflag:s12] =	ssyncadd.s32 $0xFFFFE000  }
0xdf: {  	[hbm:s0], [sflag:s29] =	dma.local [spmem:s15], $0x2000  }
0xe0: {  	_ =	swait.ge [sflag:s6], $0x2000  }
0xe1: {  	[sflag:s6] =	ssyncset.done $0x0  }
0xe2: {  	s0 =	rddreg [dreg:$0x12];
	[sflag:s6] =	ssyncadd.s32 $0xFFFFE000  }
0xe3: {  	[spmem:s15], [sflag:s17] =	dma.local [hbm:s0], $0x2000  }
0xe4: {  	_ =	swait.ge [sflag:s10], $0x2000  }
0xe5: {  	[sflag:s10] =	ssyncset.done $0x0  }
0xe6: {  	[sflag:s10] =	ssyncadd.s32 $0xFFFFE000  }
0xe7: {  	[hbm:s24], [sflag:s30] =	dma.local [spmem:s8], $0x2000  }
0xe8: {  	_ =	swait.ge [sflag:s4], $0x2000  }
0xe9: {  	[sflag:s4] =	ssyncset.done $0x0  }
0xea: {  	[sflag:s4] =	ssyncadd.s32 $0xFFFFE000  }
0xeb: {  	[spmem:s8], [sflag:s28] =	dma.local [hbm:s23], $0x2000  }
0xec: {  	_ =	swait.ge [sflag:s12], $0x2000  }
0xed: {  	[sflag:s12] =	ssyncset.done $0x0  }
0xee: {  	[sflag:s12] =	ssyncadd.s32 $0xFFFFE000  }
0xef: {  	[hbm:s22], [sflag:s29] =	dma.local [spmem:s15], $0x2000  }
0xf0: {  	_ =	swait.ge [sflag:s6], $0x2000  }
0xf1: {  	[sflag:s6] =	ssyncset.done $0x0  }
0xf2: {  	[sflag:s6] =	ssyncadd.s32 $0xFFFFE000  }
0xf3: {  	[spmem:s15], [sflag:s17] =	dma.local [hbm:s21], $0x2000  }
0xf4: {  	_ =	swait.ge [sflag:s10], $0x2000  }
0xf5: {  	[sflag:s10] =	ssyncset.done $0x0  }
0xf6: {  	[sflag:s10] =	ssyncadd.s32 $0xFFFFE000  }
0xf7: {  	[hbm:s20], [sflag:s30] =	dma.local [spmem:s8], $0x2000  }
0xf8: {  	_ =	swait.ge [sflag:s4], $0x2000  }
0xf9: {  	[sflag:s4] =	ssyncset.done $0x0  }
0xfa: {  	[sflag:s4] =	ssyncadd.s32 $0xFFFFE000  }
0xfb: {  	[spmem:s8], [sflag:s28] =	dma.local [hbm:s19], $0x2000  }
0xfc: {  	_ =	swait.ge [sflag:s12], $0x2000  }
0xfd: {  	[sflag:s12] =	ssyncset.done $0x0  }
0xfe: {  	[sflag:s12] =	ssyncadd.s32 $0xFFFFE000  }
0xff: {  	[hbm:s18], [sflag:s29] =	dma.local [spmem:s15], $0x2000  }
0x100: {  	_ =	swait.ge [sflag:s6], $0x2000  }
0x101: {  	[sflag:s6] =	ssyncset.done $0x0  }
0x102: {  	[sflag:s6] =	ssyncadd.s32 $0xFFFFE000  }
0x103: {  	[spmem:s15], [sflag:s17] =	dma.local [hbm:s16], $0x2000  }
0x104: {  	_ =	swait.ge [sflag:s10], $0x2000  }
0x105: {  	[sflag:s10] =	ssyncset.done $0x0  }
0x106: {  	[sflag:s10] =	ssyncadd.s32 $0xFFFFE000  }
0x107: {  	[hbm:s14], [sflag:s30] =	dma.local [spmem:s8], $0x2000  }
0x108: {  	_ =	swait.ge [sflag:s4], $0x2000  }
0x109: {  	[sflag:s4] =	ssyncset.done $0x0  }
0x10a: {  	[sflag:s4] =	ssyncadd.s32 $0xFFFFE000  }
0x10b: {  	[spmem:s8], [sflag:s28] =	dma.local [hbm:s13], $0x2000  }
0x10c: {  	_ =	swait.ge [sflag:s12], $0x2000  }
0x10d: {  	[sflag:s12] =	ssyncset.done $0x0  }
0x10e: {  	[sflag:s12] =	ssyncadd.s32 $0xFFFFE000  }
0x10f: {  	[hbm:s11], [sflag:s29] =	dma.local [spmem:s15], $0x2000  }
0x110: {  	_ =	swait.ge [sflag:s6], $0x2000  }
0x111: {  	[sflag:s6] =	ssyncset.done $0x0  }
0x112: {  	[sflag:s6] =	ssyncadd.s32 $0xFFFFE000  }
0x113: {  	[spmem:s15], [sflag:s17] =	dma.local [hbm:s9], $0x2000  }
0x114: {  	_ =	swait.ge [sflag:s10], $0x2000  }
0x115: {  	[sflag:s10] =	ssyncset.done $0x0  }
0x116: {  	[sflag:s10] =	ssyncadd.s32 $0xFFFFE000  }
0x117: {  	[hbm:s7], [sflag:s30] =	dma.local [spmem:s8], $0x2000  }
0x118: {  	_ =	swait.ge [sflag:s4], $0x2000  }
0x119: {  	[sflag:s4] =	ssyncset.done $0x0  }
0x11a: {  	[sflag:s4] =	ssyncadd.s32 $0xFFFFE000  }
0x11b: {  	[spmem:s8], [sflag:s28] =	dma.local [hbm:s5], $0x2000  }
0x11c: {  	_ =	swait.ge [sflag:s12], $0x2000  }
0x11d: {  	[sflag:s12] =	ssyncset.done $0x0  }
0x11e: {  	[sflag:s12] =	ssyncadd.s32 $0xFFFFE000  }
0x11f: {  	[hbm:s3], [sflag:s29] =	dma.local [spmem:s15], $0x2000  }
0x120: {  	_ =	swait.ge [sflag:s10], $0x2000  }
0x121: {  	[sflag:s10] =	ssyncset.done $0x0  }
0x122: {  	p1 =	sne.s32 s31, $0x1;
	[sflag:s10] =	ssyncadd.s32 $0xFFFFE000  }
0x123: {  	[hbm:s2], [sflag:s30] =	dma.local [spmem:s8], $0x2000  }
.Ltmp3:
0x124: {  	_ =	swait.ge [sflag:s6], $0x2000;
	(pc) =	sbr.rel @p1 .LBB2_4-.Ltmp3, $4  }
0x125: {  	[sflag:s6] =	ssyncset.done $0x0  }
0x126: {  	[sflag:s6] =	ssyncadd.s32 $0xFFFFE000  }
0x127: {  	_ =	swait.ge [sflag:s4], $0x2000  }
0x128: {  	s31 =	sadd.s32 $0xFFFFFFFF, s31;
	[sflag:s4] =	ssyncset.done $0x0  }
0x129: {  	s29 =	rddreg [dreg:$0x3]  }
.LBB2_6:
0x12a: {  	[sflag:s4] =	ssyncadd.s32 @p0 $0xFFFFE000  }
0x12b: {  	[spmem:s15], [sflag:s17] =	dma.local [hbm:s26], $0x2000  }
0x12c: {  	s26 =	sor.u32 $0x1C02, s25;
	s0 =	rddreg [dreg:$0x4]  }
0x12d: {  	[spmem:s8], [sflag:s26] =	dma.local [hbm:s0], $0x2000  }
0x12e: {  	_ =	swait.ge [sflag:s12], $0x2000  }
0x12f: {  	[sflag:s12] =	ssyncset.done $0x0  }
0x130: {  	s28 =	sor.u32 $0x1C03, s25;
	s30 =	rddreg [dreg:$0x5];
	[sflag:s12] =	ssyncadd.s32 $0xFFFFE000  }
0x131: {  	[hbm:s30], [sflag:s28] =	dma.local [spmem:s15], $0x2000  }
0x132: {  	_ =	swait.ge [sflag:s6], $0x2000  }
0x133: {  	[sflag:s6] =	ssyncset.done $0x0  }
0x134: {  	s31 =	rddreg [dreg:$0x6];
	[sflag:s6] =	ssyncadd.s32 $0xFFFFE000  }
0x135: {  	[spmem:s15], [sflag:s17] =	dma.local [hbm:s31], $0x2000  }
0x136: {  	_ =	swait.ge [sflag:s10], $0x2000  }
0x137: {  	[sflag:s10] =	ssyncset.done $0x0  }
0x138: {  	s25 =	sor.u32 $0x1C04, s25;
	s30 =	rddreg [dreg:$0x7];
	[sflag:s10] =	ssyncadd.s32 $0xFFFFE000  }
0x139: {  	[hbm:s30], [sflag:s25] =	dma.local [spmem:s8], $0x2000  }
0x13a: {  	_ =	swait.ge [sflag:s4], $0x2000  }
0x13b: {  	[sflag:s4] =	ssyncset.done $0x0  }
0x13c: {  	s31 =	rddreg [dreg:$0x8];
	[sflag:s4] =	ssyncadd.s32 $0xFFFFE000  }
0x13d: {  	[spmem:s8], [sflag:s26] =	dma.local [hbm:s31], $0x2000  }
0x13e: {  	_ =	swait.ge [sflag:s12], $0x2000  }
0x13f: {  	[sflag:s12] =	ssyncset.done $0x0  }
0x140: {  	s30 =	rddreg [dreg:$0x9];
	[sflag:s12] =	ssyncadd.s32 $0xFFFFE000  }
0x141: {  	[hbm:s30], [sflag:s28] =	dma.local [spmem:s15], $0x2000  }
0x142: {  	_ =	swait.ge [sflag:s6], $0x2000  }
0x143: {  	[sflag:s6] =	ssyncset.done $0x0  }
0x144: {  	s31 =	rddreg [dreg:$0xa];
	[sflag:s6] =	ssyncadd.s32 $0xFFFFE000  }
0x145: {  	[spmem:s15], [sflag:s17] =	dma.local [hbm:s31], $0x2000  }
0x146: {  	_ =	swait.ge [sflag:s10], $0x2000  }
0x147: {  	[sflag:s10] =	ssyncset.done $0x0  }
0x148: {  	s30 =	rddreg [dreg:$0xb];
	[sflag:s10] =	ssyncadd.s32 $0xFFFFE000  }
0x149: {  	[hbm:s30], [sflag:s25] =	dma.local [spmem:s8], $0x2000  }
0x14a: {  	_ =	swait.ge [sflag:s4], $0x2000  }
0x14b: {  	[sflag:s4] =	ssyncset.done $0x0  }
0x14c: {  	s31 =	rddreg [dreg:$0xc];
	[sflag:s4] =	ssyncadd.s32 $0xFFFFE000  }
0x14d: {  	[spmem:s8], [sflag:s26] =	dma.local [hbm:s31], $0x2000  }
0x14e: {  	_ =	swait.ge [sflag:s12], $0x2000  }
0x14f: {  	[sflag:s12] =	ssyncset.done $0x0  }
0x150: {  	s30 =	rddreg [dreg:$0xd];
	[sflag:s12] =	ssyncadd.s32 $0xFFFFE000  }
0x151: {  	[hbm:s30], [sflag:s28] =	dma.local [spmem:s15], $0x2000  }
0x152: {  	_ =	swait.ge [sflag:s6], $0x2000  }
0x153: {  	[sflag:s6] =	ssyncset.done $0x0  }
0x154: {  	s31 =	rddreg [dreg:$0xe];
	[sflag:s6] =	ssyncadd.s32 $0xFFFFE000  }
0x155: {  	[spmem:s15], [sflag:s17] =	dma.local [hbm:s31], $0x2000  }
0x156: {  	_ =	swait.ge [sflag:s10], $0x2000  }
0x157: {  	[sflag:s10] =	ssyncset.done $0x0  }
0x158: {  	s30 =	rddreg [dreg:$0xf];
	[sflag:s10] =	ssyncadd.s32 $0xFFFFE000  }
0x159: {  	[hbm:s30], [sflag:s25] =	dma.local [spmem:s8], $0x2000  }
0x15a: {  	_ =	swait.ge [sflag:s4], $0x2000  }
0x15b: {  	[sflag:s4] =	ssyncset.done $0x0  }
0x15c: {  	s31 =	rddreg [dreg:$0x10];
	[sflag:s4] =	ssyncadd.s32 $0xFFFFE000  }
0x15d: {  	[spmem:s8], [sflag:s26] =	dma.local [hbm:s31], $0x2000  }
0x15e: {  	_ =	swait.ge [sflag:s12], $0x2000  }
0x15f: {  	[sflag:s12] =	ssyncset.done $0x0  }
0x160: {  	s30 =	rddreg [dreg:$0x11];
	[sflag:s12] =	ssyncadd.s32 $0xFFFFE000  }
0x161: {  	[hbm:s30], [sflag:s28] =	dma.local [spmem:s15], $0x2000  }
0x162: {  	_ =	swait.ge [sflag:s6], $0x2000  }
0x163: {  	[sflag:s6] =	ssyncset.done $0x0  }
0x164: {  	s31 =	rddreg [dreg:$0x12];
	[sflag:s6] =	ssyncadd.s32 $0xFFFFE000  }
0x165: {  	[spmem:s15], [sflag:s17] =	dma.local [hbm:s31], $0x2000  }
0x166: {  	_ =	swait.ge [sflag:s10], $0x2000  }
0x167: {  	[sflag:s10] =	ssyncset.done $0x0  }
0x168: {  	[sflag:s10] =	ssyncadd.s32 $0xFFFFE000  }
0x169: {  	[hbm:s24], [sflag:s25] =	dma.local [spmem:s8], $0x2000  }
0x16a: {  	_ =	swait.ge [sflag:s4], $0x2000  }
0x16b: {  	[sflag:s4] =	ssyncset.done $0x0  }
0x16c: {  	[sflag:s4] =	ssyncadd.s32 $0xFFFFE000  }
0x16d: {  	[spmem:s8], [sflag:s26] =	dma.local [hbm:s23], $0x2000  }
0x16e: {  	_ =	swait.ge [sflag:s12], $0x2000  }
0x16f: {  	[sflag:s12] =	ssyncset.done $0x0  }
0x170: {  	[sflag:s12] =	ssyncadd.s32 $0xFFFFE000  }
0x171: {  	[hbm:s22], [sflag:s28] =	dma.local [spmem:s15], $0x2000  }
0x172: {  	_ =	swait.ge [sflag:s6], $0x2000  }
0x173: {  	[sflag:s6] =	ssyncset.done $0x0  }
0x174: {  	[sflag:s6] =	ssyncadd.s32 $0xFFFFE000  }
0x175: {  	[spmem:s15], [sflag:s17] =	dma.local [hbm:s21], $0x2000  }
0x176: {  	_ =	swait.ge [sflag:s10], $0x2000  }
0x177: {  	[sflag:s10] =	ssyncset.done $0x0  }
0x178: {  	[sflag:s10] =	ssyncadd.s32 $0xFFFFE000  }
0x179: {  	[hbm:s20], [sflag:s25] =	dma.local [spmem:s8], $0x2000  }
0x17a: {  	_ =	swait.ge [sflag:s4], $0x2000  }
0x17b: {  	[sflag:s4] =	ssyncset.done $0x0  }
0x17c: {  	[sflag:s4] =	ssyncadd.s32 $0xFFFFE000  }
0x17d: {  	[spmem:s8], [sflag:s26] =	dma.local [hbm:s19], $0x2000  }
0x17e: {  	_ =	swait.ge [sflag:s12], $0x2000  }
0x17f: {  	[sflag:s12] =	ssyncset.done $0x0  }
0x180: {  	[sflag:s12] =	ssyncadd.s32 $0xFFFFE000  }
0x181: {  	[hbm:s18], [sflag:s28] =	dma.local [spmem:s15], $0x2000  }
0x182: {  	_ =	swait.ge [sflag:s6], $0x2000  }
0x183: {  	[sflag:s6] =	ssyncset.done $0x0  }
0x184: {  	[sflag:s6] =	ssyncadd.s32 $0xFFFFE000  }
0x185: {  	[spmem:s15], [sflag:s17] =	dma.local [hbm:s16], $0x2000  }
0x186: {  	_ =	swait.ge [sflag:s10], $0x2000  }
0x187: {  	[sflag:s10] =	ssyncset.done $0x0  }
0x188: {  	[sflag:s10] =	ssyncadd.s32 $0xFFFFE000  }
0x189: {  	[hbm:s14], [sflag:s25] =	dma.local [spmem:s8], $0x2000  }
0x18a: {  	_ =	swait.ge [sflag:s4], $0x2000  }
0x18b: {  	[sflag:s4] =	ssyncset.done $0x0  }
0x18c: {  	[sflag:s4] =	ssyncadd.s32 $0xFFFFE000  }
0x18d: {  	[spmem:s8], [sflag:s26] =	dma.local [hbm:s13], $0x2000  }
0x18e: {  	_ =	swait.ge [sflag:s12], $0x2000  }
0x18f: {  	[sflag:s12] =	ssyncset.done $0x0  }
0x190: {  	[sflag:s12] =	ssyncadd.s32 $0xFFFFE000  }
0x191: {  	[hbm:s11], [sflag:s28] =	dma.local [spmem:s15], $0x2000  }
0x192: {  	_ =	swait.ge [sflag:s6], $0x2000  }
0x193: {  	[sflag:s6] =	ssyncset.done $0x0  }
0x194: {  	[sflag:s6] =	ssyncadd.s32 $0xFFFFE000  }
0x195: {  	[spmem:s15], [sflag:s17] =	dma.local [hbm:s9], $0x2000  }
0x196: {  	_ =	swait.ge [sflag:s10], $0x2000  }
0x197: {  	[sflag:s10] =	ssyncset.done $0x0  }
0x198: {  	[sflag:s10] =	ssyncadd.s32 $0xFFFFE000  }
0x199: {  	[hbm:s7], [sflag:s25] =	dma.local [spmem:s8], $0x2000  }
0x19a: {  	_ =	swait.ge [sflag:s4], $0x2000  }
0x19b: {  	[sflag:s4] =	ssyncset.done $0x0  }
0x19c: {  	[sflag:s4] =	ssyncadd.s32 $0xFFFFE000  }
0x19d: {  	[spmem:s8], [sflag:s26] =	dma.local [hbm:s5], $0x2000  }
0x19e: {  	_ =	swait.ge [sflag:s12], $0x2000  }
0x19f: {  	[sflag:s12] =	ssyncset.done $0x0  }
0x1a0: {  	[sflag:s12] =	ssyncadd.s32 $0xFFFFE000  }
0x1a1: {  	[hbm:s3], [sflag:s28] =	dma.local [spmem:s15], $0x2000  }
0x1a2: {  	_ =	swait.ge [sflag:s10], $0x2000  }
0x1a3: {  	[sflag:s10] =	ssyncset.done $0x0  }
0x1a4: {  	[sflag:s10] =	ssyncadd.s32 $0xFFFFE000  }
0x1a5: {  	[hbm:s2], [sflag:s25] =	dma.local [spmem:s8], $0x2000  }
0x1a6: {  	_ =	swait.ge [sflag:s6], $0x2000  }
0x1a7: {  	[sflag:s6] =	ssyncset.done $0x0  }
0x1a8: {  	[sflag:s6] =	ssyncadd.s32 $0xFFFFE000  }
0x1a9: {  	_ =	swait.ge [sflag:s4], $0x2000  }
0x1aa: {  	[sflag:s4] =	ssyncset.done $0x0  }
0x1ab: {  	[sflag:s4] =	ssyncadd.s32 $0xFFFFE000  }
.LBB2_7:
0x1ac: {  	_ =	sfence.sel $0x180000  }
0x1ad: {  	[bflag:$0x0] =	sbarrier.arrive $0xFFFF  }
0x1ae: {  	p0 =	sne.s32 s1, $0x0;
	_ =	strace $0x90000047  }
0x1af: {  	s0 =	sadd.s32 @!p0 $0x100000, s29;
	[bflag:$0x2] =	sbarrier.arrive $0xFFFF  }
0x1b0: {  	[sflag:s0] =	ssyncadd.tile.s32 @!p0 $0x1;
	_ =	shalt  }
.LBB2_3:
.Ltmp4:
0x1b1: {  	(pc) =	sbr.rel .LBB2_6-.Ltmp4, $2  }
0x1b2: {  	_ =	sdelay $0x2  }
0x1b3: {  	s29 =	rddreg [dreg:$0x3]  }
.Lfunc_end2:
_tile_overlayer_lowered:
.L_overlay_start_2:
0x1b4: {  	(tag) =	ssettag $0x2  }
0x1b5: {  	s0 =	rddreg [dreg:$0x0];
	s2 =	stileid.u32  }
0x1b6: {  	s1 =	rddreg [dreg:$0x1];
	p0 =	sne.s32 s2, $0x0  }
0x1b7: {  	s3 =	rddreg [dreg:$0x2];
	[bflag:$0x3] =	sbarrier.arrive $0xFFFF;
	s2 =	simm.s32 @!p0 $0x1C05  }
0x1b8: {  	[timem:s3], [sflag:s2] =	dma.local @!p0 [hbm:s0], s1  }
0x1b9: {  	s0 =	simm.s32 @!p0 $0x5  }
0x1ba: {  	_ =	swait.ge @!p0 [sflag:s0], s1  }
0x1bb: {  	s1 =	ssub.s32 @!p0 $0x0, s1;
	[sflag:s0] =	ssyncset.done @!p0 $0x0  }
0x1bc: {  	[sflag:s0] =	ssyncadd.s32 @!p0 s1  }
0x1bd: {  	[bflag:$0x3] =	sbarrier.arrive $0xFFFF  }
0x1be: {  	_ =	shalt  }

</sc_bundles>
